<compile_context>
chip_gen: v7x
topology: tpu7x:2x2x1
jax: 0.10.2.dev20260603
libtpu: 0.0.44.dev20260713+nightly
codegen_flags: <defaults>
</compile_context>

<pallas_src>
import functools

import jax
import jax.numpy as jnp
from jax import lax
from jax.experimental import pallas as pl
from jax.experimental.pallas import tpu as pltpu
from jax.experimental.pallas import tpu_sc as plsc

N = 10000
D = 128
E = 320000
NCORE = 2
NSUB = 16
EPT = E // NSUB
CH = 128
NCHREL = E // CH
RPT = 624
TAIL = N - NSUB * RPT
RBLK = 1000
NB = N // RBLK


def _mm(a, b):
    return jax.lax.dot_general(a, b, (((1,), (0,)), ((), ())),
                               preferred_element_type=jnp.float32)


def _node_tables_body(x_ref, W_in_ref, b_in_ref, W_k_ref, b_k_ref, W_q_ref,
                      b_q_ref, W_v_ref, b_v_ref, W_a_ref, b_a_ref, hw_ref,
                      as_ref, v_ref, ad_ref, base_ref):
    g = pl.program_id(0)
    t_out = g
    t_in = 1 - g
    t_sl = 2 + g

    e = _mm(x_ref[0], W_in_ref[g]) + b_in_ref[g][None]

    def as_table(t):
        k = _mm(e, W_k_ref[t]) + b_k_ref[t][None]
        return _mm(k, W_a_ref[t][:D]) * hw_ref[t][None]

    def ad_table(t):
        q = _mm(e, W_q_ref[t]) + b_q_ref[t][None]
        return (_mm(q, W_a_ref[t][D:]) + b_a_ref[t][None]) * hw_ref[t][None]

    def v_table(t):
        return _mm(e, W_v_ref[t]) + b_v_ref[t][None]

    as_ref[0] = as_table(t_out)
    v_ref[0] = v_table(t_out)
    ad_ref[0] = ad_table(t_in)
    base_ref[0] = jax.nn.sigmoid(as_table(t_sl) + ad_table(t_sl)) * v_table(t_sl)


def _node_tables(x, W_in, b_in, W_k, b_k, W_q, b_q, W_v, b_v, W_a, b_a, hw):
    blk = pl.BlockSpec((1, RBLK, D), lambda g, b: (g, b, 0))
    blk_rev = pl.BlockSpec((1, RBLK, D), lambda g, b: (1 - g, b, 0))
    full = lambda s: pl.BlockSpec(s, lambda g, b: (0,) * len(s))
    out = jax.ShapeDtypeStruct((2, N, D), jnp.float32)
    return pl.pallas_call(
        _node_tables_body,
        grid=(2, NB),
        in_specs=[
            blk,
            full((2, D, D)), full((2, D)),
            full((4, D, D)), full((4, D)),
            full((4, D, D)), full((4, D)),
            full((4, D, D)), full((4, D)),
            full((4, 2 * D, D)), full((4, D)),
            full((4, D)),
        ],
        out_specs=[blk, blk, blk_rev, blk_rev],
        out_shape=[out, out, out, out],
    )(x, W_in, b_in, W_k, b_k, W_q, b_q, W_v, b_v, W_a, b_a, hw)


def _edge_kernel(as_hbm, v_hbm, ad_hbm, base_hbm, edges_hbm, out_hbm,
                 idx2, idxg_s, idxg_d, idxd_raw, as_v, v_v, ad_v, acc,
                 sem_g):
    r = lax.axis_index("c")
    s = lax.axis_index("s")

    row0 = s * RPT
    pltpu.sync_copy(base_hbm.at[pl.ds(r * N + row0, RPT)],
                    acc.at[pl.ds(row0, RPT)])

    @pl.when(s == NSUB - 1)
    def _init_tail():
        pltpu.sync_copy(base_hbm.at[pl.ds(r * N + NSUB * RPT, TAIL)],
                        acc.at[pl.ds(NSUB * RPT, TAIL)])

    plsc.subcore_barrier()

    nch = jnp.where(s < NCHREL % NSUB, NCHREL // NSUB + 1, NCHREL // NSUB)
    chunk0 = r * NCHREL + s * (NCHREL // NSUB) + jnp.minimum(s, NCHREL % NSUB)

    roff = r * N

    @pl.loop(0, nch)
    def _chunk(k):
        off = (chunk0 + k) * 2 * CH
        pltpu.sync_copy(edges_hbm.at[pl.ds(off, 2 * CH)], idx2)
        for j in range(CH // 16):
            sl = pl.ds(j * 16, 16)
            idxg_s[sl] = idx2[pl.ds(j * 16, 16)] + roff
            d = idx2[pl.ds(CH + j * 16, 16)]
            idxd_raw[sl] = d
            idxg_d[sl] = d + roff
        g1 = pltpu.async_copy(as_hbm.at[idxg_s], as_v, sem_g)
        g2 = pltpu.async_copy(v_hbm.at[idxg_s], v_v, sem_g)
        g3 = pltpu.async_copy(ad_hbm.at[idxg_d], ad_v, sem_g)
        g1.wait()
        g2.wait()
        g3.wait()

        @pl.loop(0, CH)
        def _row(i):
            for j in range(D // 16):
                sl = pl.ds(j * 16, 16)
                x = as_v[i, sl] + ad_v[i, sl]
                as_v[i, sl] = v_v[i, sl] / (1.0 + jnp.exp(-x))

        pltpu.sync_copy(as_v, acc.at[idxd_raw], add=True)

    plsc.subcore_barrier()
    pltpu.sync_copy(acc.at[pl.ds(row0, RPT)],
                    out_hbm.at[pl.ds(r * N + row0, RPT)])

    @pl.when(s == NSUB - 1)
    def _write_tail():
        pltpu.sync_copy(acc.at[pl.ds(NSUB * RPT, TAIL)],
                        out_hbm.at[pl.ds(r * N + NSUB * RPT, TAIL)])


def _edge_phase(as_cat, v_cat, ad_cat, base_cat, edges_cat):
    mesh = plsc.VectorSubcoreMesh(core_axis_name="c", subcore_axis_name="s",
                                  num_cores=NCORE, num_subcores=NSUB)
    return pl.kernel(
        _edge_kernel,
        out_type=jax.ShapeDtypeStruct((2 * N, D), jnp.float32),
        mesh=mesh,
        scratch_types=[
            pltpu.VMEM((2 * CH,), jnp.int32),
            pltpu.VMEM((CH,), jnp.int32),
            pltpu.VMEM((CH,), jnp.int32),
            pltpu.VMEM((CH,), jnp.int32),
            pltpu.VMEM((CH, D), jnp.float32),
            pltpu.VMEM((CH, D), jnp.float32),
            pltpu.VMEM((CH, D), jnp.float32),
            pltpu.VMEM_SHARED((N, D), jnp.float32),
            pltpu.SemaphoreType.DMA,
        ],
    )(as_cat, v_cat, ad_cat, base_cat, edges_cat)


def _out_linear_body(acc_ref, W_out_ref, b_out_ref, out_ref):
    g = pl.program_id(0)
    out_ref[0] = _mm(acc_ref[0], W_out_ref[g]) + b_out_ref[g][None]


def _out_linear(acc, W_out, b_out):
    return pl.pallas_call(
        _out_linear_body,
        grid=(2, NB),
        in_specs=[
            pl.BlockSpec((1, RBLK, D), lambda g, b: (1 - g, b, 0)),
            pl.BlockSpec((2, D, D), lambda g, b: (0, 0, 0)),
            pl.BlockSpec((2, D), lambda g, b: (0, 0)),
        ],
        out_specs=pl.BlockSpec((1, RBLK, D), lambda g, b: (g, b, 0)),
        out_shape=jax.ShapeDtypeStruct((2, N, D), jnp.float32),
    )(acc, W_out, b_out)


def kernel(x_user, x_item, ei_user_item, ei_item_user, W_in, b_in, W_out,
           b_out, W_k, b_k, W_q, b_q, W_v, b_v, W_a, b_a, head_w):
    x = jnp.stack([x_user, x_item])
    hw = head_w.reshape(4, D)
    as_t, v_t, ad_t, base_t = _node_tables(
        x, W_in, b_in, W_k, b_k, W_q, b_q, W_v, b_v, W_a, b_a, hw)
    edges_cat = jnp.stack(
        [jnp.concatenate([ei_user_item[0], ei_item_user[0]]).reshape(-1, CH),
         jnp.concatenate([ei_user_item[1], ei_item_user[1]]).reshape(-1, CH)],
        axis=1).reshape(-1)
    acc = _edge_phase(as_t.reshape(2 * N, D), v_t.reshape(2 * N, D),
                      ad_t.reshape(2 * N, D), base_t.reshape(2 * N, D),
                      edges_cat)
    out = _out_linear(acc.reshape(2, N, D), W_out, b_out)
    return (out[0], out[1])

# --- scband reference (transcript-rebuilt; emitter-appended) ---
"""Pipeline reference for scband-topology-robust-local-attention-5446018531697 (READ-ONLY COPY).

The authoritative reference and input builder live on the scoring server;
editing this copy changes nothing except your own understanding.
"""

import jax, jax.numpy as jnp
import numpy as np

N_USER = 10000
N_ITEM = 10000
D = 128
H = 4
HD = 32
E = 320000


def _lin(x, W, b):
    return x @ W + b


def setup_inputs():
    keys = jax.random.split(jax.random.key(0), 64)
    c = [0]
    def nk():
        k = keys[c[0]]
        c[0] += 1
        return k
    def nrm(shape, scale):
        return jax.random.normal(nk(), shape, dtype=jnp.float32) * scale
    inp = {}
    inp['x_user'] = nrm((N_USER, D), 1.0)
    inp['x_item'] = nrm((N_ITEM, D), 1.0)
    inp['ei_user_item'] = jax.random.randint(nk(), (2, E), 0, N_USER, dtype=jnp.int32)
    inp['ei_item_user'] = jax.random.randint(nk(), (2, E), 0, N_ITEM, dtype=jnp.int32)
    # learned parameters (stacked: index 0=user, 1=item for node-type linears;
    # edge types 0=(user,to,item), 1=(item,rev,user), 2=(user,SelfLoop,user), 3=(item,SelfLoop,item))
    inp['W_in'] = nrm((2, D, D), 0.05)
    inp['b_in'] = jnp.zeros((2, D), dtype=jnp.float32)
    inp['W_out'] = nrm((2, D, D), 0.05)
    inp['b_out'] = jnp.zeros((2, D), dtype=jnp.float32)
    inp['W_k'] = nrm((4, D, D), 0.05)
    inp['b_k'] = jnp.zeros((4, D), dtype=jnp.float32)
    inp['W_q'] = nrm((4, D, D), 0.05)
    inp['b_q'] = jnp.zeros((4, D), dtype=jnp.float32)
    inp['W_v'] = nrm((4, D, D), 0.05)
    inp['b_v'] = jnp.zeros((4, D), dtype=jnp.float32)
    inp['W_a'] = nrm((4, 2 * D, D), 0.05)
    inp['b_a'] = jnp.zeros((4, D), dtype=jnp.float32)
    inp['head_w'] = nrm((4, 1, H, HD), 0.5)
    return inp


def reference(x_user, x_item, ei_user_item, ei_item_user, W_in, b_in, W_out, b_out,
              W_k, b_k, W_q, b_q, W_v, b_v, W_a, b_a, head_w):
    # in_linear per node type
    emb = {
        'user': _lin(x_user, W_in[0], b_in[0]),
        'item': _lin(x_item, W_in[1], b_in[1]),
    }
    # self-loop edge indices (is_selfloop=True)
    sl_u = jnp.tile(jnp.arange(N_USER, dtype=jnp.int32)[None, :], (2, 1))
    sl_i = jnp.tile(jnp.arange(N_ITEM, dtype=jnp.int32)[None, :], (2, 1))
    # iteration order matches torch dict order: given relations, then self-loops in node-type order
    edges = [
        ('user', 'item', ei_user_item, 0),
        ('item', 'user', ei_item_user, 1),
        ('user', 'user', sl_u, 2),
        ('item', 'item', sl_i, 3),
    ]
    offset = {'user': 0, 'item': N_USER}
    att_list, msg_list, tgt_list = [], [], []
    for (st, tt, ei, t) in edges:
        src = ei[0]
        dst = ei[1]
        k_emb = _lin(emb[st], W_k[t], b_k[t])[src]
        q_emb = _lin(emb[tt], W_q[t], b_q[t])[dst]
        att = jnp.concatenate([k_emb, q_emb], axis=1)
        att = _lin(att, W_a[t], b_a[t]).reshape(-1, H, HD)
        att = att * head_w[t]
        v_emb = _lin(emb[st], W_v[t], b_v[t])[src].reshape(-1, H, HD)
        att_list.append(att)
        msg_list.append(v_emb)
        tgt_list.append(dst + offset[tt])
    attention = jax.nn.sigmoid(jnp.concatenate(att_list, axis=0))
    message = (attention * jnp.concatenate(msg_list, axis=0)).reshape(-1, D)
    tgt = jnp.concatenate(tgt_list, axis=0)
    num_nodes = N_USER + N_ITEM
    node_emb = jnp.zeros((num_nodes, D), dtype=message.dtype).at[tgt].add(message)
    out_user = _lin(node_emb[:N_USER], W_out[0], b_out[0])
    out_item = _lin(node_emb[N_USER:], W_out[1], b_out[1])
    return (out_user, out_item)

if __name__ == "__main__":
    import jax
    _d = setup_inputs()
    print(jax.jit(kernel)(*tuple(_d.values())))

</pallas_src>

<mosaic_0001>
#map = affine_map<(d0, d1) -> (0, 0)>
#map1 = affine_map<(d0, d1) -> (0)>
module attributes {stable_mosaic.version = 14 : i64} {
  func.func @_edge_kernel(%arg0: i32, %arg1: i32, %arg2: memref<20000x128xf32, #tpu.memory_space<hbm>>, %arg3: memref<20000x128xf32, #tpu.memory_space<hbm>>, %arg4: memref<20000x128xf32, #tpu.memory_space<hbm>>, %arg5: memref<20000x128xf32, #tpu.memory_space<hbm>>, %arg6: memref<1280000xi32, #tpu.memory_space<hbm>>, %arg7: memref<20000x128xf32, #tpu.memory_space<hbm>>, %arg8: memref<256xi32, #tpu.memory_space<vmem>>, %arg9: memref<128xi32, #tpu.memory_space<vmem>>, %arg10: memref<128xi32, #tpu.memory_space<vmem>>, %arg11: memref<128xi32, #tpu.memory_space<vmem>>, %arg12: memref<128x128xf32, #tpu.memory_space<vmem>>, %arg13: memref<128x128xf32, #tpu.memory_space<vmem>>, %arg14: memref<128x128xf32, #tpu.memory_space<vmem>>, %arg15: memref<10000x128xf32, #tpu.memory_space<vmem_shared>>, %arg16: memref<!tpu.dma_semaphore, #tpu.memory_space<semaphore_mem>>) attributes {dimension_semantics = [#tpu.dimension_semantics<core_parallel>, #tpu.dimension_semantics<subcore_parallel>], iteration_bounds = array<i64: 2, 16>, scalar_prefetch = 0 : i64, scratch_operands = 9 : i64, tpu.core_type = #tpu.core_type<sc_vector_subcore>, window_params = [{transform_indices = #map}, {transform_indices = #map}, {transform_indices = #map}, {transform_indices = #map}, {transform_indices = #map1}, {transform_indices = #map}]} {
    %mul3A = arith.constant 624 : i32
    %mul3A_0 = arith.muli %arg1, %mul3A : i32
    %mul3A_1 = arith.constant 10000 : i32
    %mul3A_2 = arith.muli %arg0, %mul3A_1 : i32
    %add3A = arith.addi %mul3A_2, %mul3A_0 : i32
    "tpu.region"() ({
      %run_scoped3A = tpu.sem_alloc : memref<!tpu.dma_semaphore, #tpu.memory_space<semaphore_mem>>
      %dma_start3A = arith.constant 0 : i32
      %dma_start3A_41 = tpu.memref_slice %arg15[%mul3A_0, %dma_start3A] : memref<10000x128xf32, #tpu.memory_space<vmem_shared>> -> memref<624x128xf32, #tpu.memory_space<vmem_shared>>
      %dma_start3A_42 = arith.constant 0 : i32
      %dma_start3A_43 = tpu.memref_slice %arg5[%add3A, %dma_start3A_42] : memref<20000x128xf32, #tpu.memory_space<hbm>> -> memref<624x128xf32, #tpu.memory_space<hbm>>
      tpu.enqueue_dma source(%dma_start3A_43 : memref<624x128xf32, #tpu.memory_space<hbm>>) target(%dma_start3A_41 : memref<624x128xf32, #tpu.memory_space<vmem_shared>>) target_semaphore(%run_scoped3A : memref<!tpu.dma_semaphore, #tpu.memory_space<semaphore_mem>>)
      %dma_wait3A = arith.constant 0 : i32
      %dma_wait3A_44 = tpu.memref_slice %arg15[%mul3A_0, %dma_wait3A] : memref<10000x128xf32, #tpu.memory_space<vmem_shared>> -> memref<624x128xf32, #tpu.memory_space<vmem_shared>>
      %dma_wait3A_45 = arith.constant 0 : i32
      %dma_wait3A_46 = tpu.memref_slice %arg5[%add3A, %dma_wait3A_45] : memref<20000x128xf32, #tpu.memory_space<hbm>> -> memref<624x128xf32, #tpu.memory_space<hbm>>
      tpu.wait_dma2 semaphore(%run_scoped3A : memref<!tpu.dma_semaphore, #tpu.memory_space<semaphore_mem>>) src(%dma_wait3A_46 : memref<624x128xf32, #tpu.memory_space<hbm>>) dst(%dma_wait3A_44 : memref<624x128xf32, #tpu.memory_space<vmem_shared>>)
      tpu.yield
    }) : () -> ()
    %eq3A = arith.constant 15 : i32
    %eq3A_3 = arith.cmpi eq, %arg1, %eq3A : i32
    %convert_element_type3A = arith.extui %eq3A_3 : i1 to i32
    %cond3A = arith.constant 0 : i32
    %cond3A_4 = arith.cmpi ne, %convert_element_type3A, %cond3A : i32
    scf.if %cond3A_4 {
      %mul3A_41 = arith.constant 10000 : i32
      %mul3A_42 = arith.muli %arg0, %mul3A_41 : i32
      %add3A_43 = arith.constant 9984 : i32
      %add3A_44 = arith.addi %mul3A_42, %add3A_43 : i32
      "tpu.region"() ({
        %run_scoped3A = tpu.sem_alloc : memref<!tpu.dma_semaphore, #tpu.memory_space<semaphore_mem>>
        %dma_start3A = arith.constant 9984 : i32
        %dma_start3A_45 = arith.constant 0 : i32
        %dma_start3A_46 = tpu.memref_slice %arg15[%dma_start3A, %dma_start3A_45] : memref<10000x128xf32, #tpu.memory_space<vmem_shared>> -> memref<16x128xf32, #tpu.memory_space<vmem_shared>>
        %dma_start3A_47 = arith.constant 0 : i32
        %dma_start3A_48 = tpu.memref_slice %arg5[%add3A_44, %dma_start3A_47] : memref<20000x128xf32, #tpu.memory_space<hbm>> -> memref<16x128xf32, #tpu.memory_space<hbm>>
        tpu.enqueue_dma source(%dma_start3A_48 : memref<16x128xf32, #tpu.memory_space<hbm>>) target(%dma_start3A_46 : memref<16x128xf32, #tpu.memory_space<vmem_shared>>) target_semaphore(%run_scoped3A : memref<!tpu.dma_semaphore, #tpu.memory_space<semaphore_mem>>)
        %dma_wait3A = arith.constant 9984 : i32
        %dma_wait3A_49 = arith.constant 0 : i32
        %dma_wait3A_50 = tpu.memref_slice %arg15[%dma_wait3A, %dma_wait3A_49] : memref<10000x128xf32, #tpu.memory_space<vmem_shared>> -> memref<16x128xf32, #tpu.memory_space<vmem_shared>>
        %dma_wait3A_51 = arith.constant 0 : i32
        %dma_wait3A_52 = tpu.memref_slice %arg5[%add3A_44, %dma_wait3A_51] : memref<20000x128xf32, #tpu.memory_space<hbm>> -> memref<16x128xf32, #tpu.memory_space<hbm>>
        tpu.wait_dma2 semaphore(%run_scoped3A : memref<!tpu.dma_semaphore, #tpu.memory_space<semaphore_mem>>) src(%dma_wait3A_52 : memref<16x128xf32, #tpu.memory_space<hbm>>) dst(%dma_wait3A_50 : memref<16x128xf32, #tpu.memory_space<vmem_shared>>)
        tpu.yield
      }) : () -> ()
    } else {
    }
    %barrier3A = arith.constant 0 : index
    tpu.barrier barrier_id(%barrier3A)
    %lt3A = arith.constant 4 : i32
    %lt3A_5 = arith.cmpi slt, %arg1, %lt3A : i32
    %jit3A = arith.constant 157 : i32
    %jit3A_6 = arith.constant 156 : i32
    %select_n3A = arith.select %lt3A_5, %jit3A, %jit3A_6 : i32
    %mul3A_7 = arith.constant 2500 : i32
    %mul3A_8 = arith.muli %arg0, %mul3A_7 : i32
    %mul3A_9 = arith.constant 156 : i32
    %mul3A_10 = arith.muli %arg1, %mul3A_9 : i32
    %add3A_11 = arith.addi %mul3A_8, %mul3A_10 : i32
    %min3A = arith.constant 4 : i32
    %min3A_12 = arith.minsi %arg1, %min3A : i32
    %add3A_13 = arith.addi %add3A_11, %min3A_12 : i32
    %mul3A_14 = arith.constant 10000 : i32
    %mul3A_15 = arith.muli %arg0, %mul3A_14 : i32
    %sub3A = arith.constant 0 : i32
    %sub3A_16 = arith.subi %select_n3A, %sub3A : i32
    %sub3A_17 = arith.constant 1 : i32
    %sub3A_18 = arith.constant 1 : i32
    %sub3A_19 = arith.subi %sub3A_17, %sub3A_18 : i32
    %add3A_20 = arith.addi %sub3A_16, %sub3A_19 : i32
    %div3A = arith.constant 1 : i32
    %div3A_21 = arith.divsi %add3A_20, %div3A : i32
    %while3A = arith.constant 1 : i32
    %while3A_22 = arith.constant 0 : i32
    %while3A_23 = arith.constant 0 : i32
    %while3A_24 = arith.subi %div3A_21, %while3A_23 : i32
    %while3A_25 = arith.addi %while3A_23, %while3A_24 : i32
    %while3A_26 = arith.constant 1 : i32
    %while3A_27 = arith.divsi %while3A_24, %while3A_26 : i32
    %while3A_28 = arith.muli %while3A_27, %while3A_26 : i32
    %while3A_29 = arith.addi %while3A_23, %while3A_28 : i32
    %while3A_30 = arith.constant 1 : i32
    scf.for %while3A_41 = %while3A_23 to %while3A_29 step %while3A_30  : i32 {
      %mul3A_42 = arith.muli %while3A_41, %while3A : i32
      %add3A_43 = arith.addi %while3A_22, %mul3A_42 : i32
      %add3A_44 = arith.addi %add3A_13, %add3A_43 : i32
      %mul3A_45 = arith.constant 2 : i32
      %mul3A_46 = arith.muli %add3A_44, %mul3A_45 : i32
      %mul3A_47 = arith.constant 128 : i32
      %mul3A_48 = arith.muli %mul3A_46, %mul3A_47 : i32
      "tpu.region"() ({
        %run_scoped3A = tpu.sem_alloc : memref<!tpu.dma_semaphore, #tpu.memory_space<semaphore_mem>>
        %dma_start3A_243 = tpu.memref_slice %arg6[%mul3A_48] : memref<1280000xi32, #tpu.memory_space<hbm>> -> memref<256xi32, #tpu.memory_space<hbm>>
        %dma_start3A_244 = tpu.memref_slice %arg6[%mul3A_48] : memref<1280000xi32, #tpu.memory_space<hbm>> -> memref<256xi32, #tpu.memory_space<hbm>>
        tpu.enqueue_dma source(%dma_start3A_244 : memref<256xi32, #tpu.memory_space<hbm>>) target(%arg8 : memref<256xi32, #tpu.memory_space<vmem>>) target_semaphore(%run_scoped3A : memref<!tpu.dma_semaphore, #tpu.memory_space<semaphore_mem>>)
        %dma_wait3A_245 = tpu.memref_slice %arg6[%mul3A_48] : memref<1280000xi32, #tpu.memory_space<hbm>> -> memref<256xi32, #tpu.memory_space<hbm>>
        %dma_wait3A_246 = tpu.memref_slice %arg6[%mul3A_48] : memref<1280000xi32, #tpu.memory_space<hbm>> -> memref<256xi32, #tpu.memory_space<hbm>>
        tpu.wait_dma2 semaphore(%run_scoped3A : memref<!tpu.dma_semaphore, #tpu.memory_space<semaphore_mem>>) src(%dma_wait3A_246 : memref<256xi32, #tpu.memory_space<hbm>>) dst(%arg8 : memref<256xi32, #tpu.memory_space<vmem>>)
        tpu.yield
      }) : () -> ()
      %get3A = arith.constant 0 : index
      %get3A_49 = tpu.vector_load %arg8[%get3A] {strides = array<i32>} : memref<256xi32, #tpu.memory_space<vmem>>, vector<16xi32>,
      %get3A_50 = vector.shape_cast %get3A_49 : vector<16xi32> to vector<16xi32>
      %add3A_51 = vector.broadcast %mul3A_15 : i32 to vector<16xi32>
      %add3A_52 = arith.addi %get3A_50, %add3A_51 : vector<16xi32>
      %swap3A = arith.constant 0 : index
      %swap3A_53 = tpu.vector_load %arg9[%swap3A] {strides = array<i32>} : memref<128xi32, #tpu.memory_space<vmem>>, vector<16xi32>,
      %swap3A_54 = vector.shape_cast %swap3A_53 : vector<16xi32> to vector<16xi32>
      %swap3A_55 = vector.shape_cast %add3A_52 : vector<16xi32> to vector<16xi32>
      tpu.vector_store %arg9[%swap3A], %swap3A_55 {strides = array<i32>} : memref<128xi32, #tpu.memory_space<vmem>>, vector<16xi32>,
      %get3A_56 = arith.constant 128 : index
      %get3A_57 = tpu.vector_load %arg8[%get3A_56] {strides = array<i32>} : memref<256xi32, #tpu.memory_space<vmem>>, vector<16xi32>,
      %get3A_58 = vector.shape_cast %get3A_57 : vector<16xi32> to vector<16xi32>
      %swap3A_59 = arith.constant 0 : index
      %swap3A_60 = tpu.vector_load %arg11[%swap3A_59] {strides = array<i32>} : memref<128xi32, #tpu.memory_space<vmem>>, vector<16xi32>,
      %swap3A_61 = vector.shape_cast %swap3A_60 : vector<16xi32> to vector<16xi32>
      %swap3A_62 = vector.shape_cast %get3A_58 : vector<16xi32> to vector<16xi32>
      tpu.vector_store %arg11[%swap3A_59], %swap3A_62 {strides = array<i32>} : memref<128xi32, #tpu.memory_space<vmem>>, vector<16xi32>,
      %add3A_63 = vector.broadcast %mul3A_15 : i32 to vector<16xi32>
      %add3A_64 = arith.addi %get3A_58, %add3A_63 : vector<16xi32>
      %swap3A_65 = arith.constant 0 : index
      %swap3A_66 = tpu.vector_load %arg10[%swap3A_65] {strides = array<i32>} : memref<128xi32, #tpu.memory_space<vmem>>, vector<16xi32>,
      %swap3A_67 = vector.shape_cast %swap3A_66 : vector<16xi32> to vector<16xi32>
      %swap3A_68 = vector.shape_cast %add3A_64 : vector<16xi32> to vector<16xi32>
      tpu.vector_store %arg10[%swap3A_65], %swap3A_68 {strides = array<i32>} : memref<128xi32, #tpu.memory_space<vmem>>, vector<16xi32>,
      %get3A_69 = arith.constant 16 : index
      %get3A_70 = tpu.vector_load %arg8[%get3A_69] {strides = array<i32>} : memref<256xi32, #tpu.memory_space<vmem>>, vector<16xi32>,
      %get3A_71 = vector.shape_cast %get3A_70 : vector<16xi32> to vector<16xi32>
      %add3A_72 = vector.broadcast %mul3A_15 : i32 to vector<16xi32>
      %add3A_73 = arith.addi %get3A_71, %add3A_72 : vector<16xi32>
      %swap3A_74 = arith.constant 16 : index
      %swap3A_75 = tpu.vector_load %arg9[%swap3A_74] {strides = array<i32>} : memref<128xi32, #tpu.memory_space<vmem>>, vector<16xi32>,
      %swap3A_76 = vector.shape_cast %swap3A_75 : vector<16xi32> to vector<16xi32>
      %swap3A_77 = vector.shape_cast %add3A_73 : vector<16xi32> to vector<16xi32>
      tpu.vector_store %arg9[%swap3A_74], %swap3A_77 {strides = array<i32>} : memref<128xi32, #tpu.memory_space<vmem>>, vector<16xi32>,
      %get3A_78 = arith.constant 144 : index
      %get3A_79 = tpu.vector_load %arg8[%get3A_78] {strides = array<i32>} : memref<256xi32, #tpu.memory_space<vmem>>, vector<16xi32>,
      %get3A_80 = vector.shape_cast %get3A_79 : vector<16xi32> to vector<16xi32>
      %swap3A_81 = arith.constant 16 : index
      %swap3A_82 = tpu.vector_load %arg11[%swap3A_81] {strides = array<i32>} : memref<128xi32, #tpu.memory_space<vmem>>, vector<16xi32>,
      %swap3A_83 = vector.shape_cast %swap3A_82 : vector<16xi32> to vector<16xi32>
      %swap3A_84 = vector.shape_cast %get3A_80 : vector<16xi32> to vector<16xi32>
      tpu.vector_store %arg11[%swap3A_81], %swap3A_84 {strides = array<i32>} : memref<128xi32, #tpu.memory_space<vmem>>, vector<16xi32>,
      %add3A_85 = vector.broadcast %mul3A_15 : i32 to vector<16xi32>
      %add3A_86 = arith.addi %get3A_80, %add3A_85 : vector<16xi32>
      %swap3A_87 = arith.constant 16 : index
      %swap3A_88 = tpu.vector_load %arg10[%swap3A_87] {strides = array<i32>} : memref<128xi32, #tpu.memory_space<vmem>>, vector<16xi32>,
      %swap3A_89 = vector.shape_cast %swap3A_88 : vector<16xi32> to vector<16xi32>
      %swap3A_90 = vector.shape_cast %add3A_86 : vector<16xi32> to vector<16xi32>
      tpu.vector_store %arg10[%swap3A_87], %swap3A_90 {strides = array<i32>} : memref<128xi32, #tpu.memory_space<vmem>>, vector<16xi32>,
      %get3A_91 = arith.constant 32 : index
      %get3A_92 = tpu.vector_load %arg8[%get3A_91] {strides = array<i32>} : memref<256xi32, #tpu.memory_space<vmem>>, vector<16xi32>,
      %get3A_93 = vector.shape_cast %get3A_92 : vector<16xi32> to vector<16xi32>
      %add3A_94 = vector.broadcast %mul3A_15 : i32 to vector<16xi32>
      %add3A_95 = arith.addi %get3A_93, %add3A_94 : vector<16xi32>
      %swap3A_96 = arith.constant 32 : index
      %swap3A_97 = tpu.vector_load %arg9[%swap3A_96] {strides = array<i32>} : memref<128xi32, #tpu.memory_space<vmem>>, vector<16xi32>,
      %swap3A_98 = vector.shape_cast %swap3A_97 : vector<16xi32> to vector<16xi32>
      %swap3A_99 = vector.shape_cast %add3A_95 : vector<16xi32> to vector<16xi32>
      tpu.vector_store %arg9[%swap3A_96], %swap3A_99 {strides = array<i32>} : memref<128xi32, #tpu.memory_space<vmem>>, vector<16xi32>,
      %get3A_100 = arith.constant 160 : index
      %get3A_101 = tpu.vector_load %arg8[%get3A_100] {strides = array<i32>} : memref<256xi32, #tpu.memory_space<vmem>>, vector<16xi32>,
      %get3A_102 = vector.shape_cast %get3A_101 : vector<16xi32> to vector<16xi32>
      %swap3A_103 = arith.constant 32 : index
      %swap3A_104 = tpu.vector_load %arg11[%swap3A_103] {strides = array<i32>} : memref<128xi32, #tpu.memory_space<vmem>>, vector<16xi32>,
      %swap3A_105 = vector.shape_cast %swap3A_104 : vector<16xi32> to vector<16xi32>
      %swap3A_106 = vector.shape_cast %get3A_102 : vector<16xi32> to vector<16xi32>
      tpu.vector_store %arg11[%swap3A_103], %swap3A_106 {strides = array<i32>} : memref<128xi32, #tpu.memory_space<vmem>>, vector<16xi32>,
      %add3A_107 = vector.broadcast %mul3A_15 : i32 to vector<16xi32>
      %add3A_108 = arith.addi %get3A_102, %add3A_107 : vector<16xi32>
      %swap3A_109 = arith.constant 32 : index
      %swap3A_110 = tpu.vector_load %arg10[%swap3A_109] {strides = array<i32>} : memref<128xi32, #tpu.memory_space<vmem>>, vector<16xi32>,
      %swap3A_111 = vector.shape_cast %swap3A_110 : vector<16xi32> to vector<16xi32>
      %swap3A_112 = vector.shape_cast %add3A_108 : vector<16xi32> to vector<16xi32>
      tpu.vector_store %arg10[%swap3A_109], %swap3A_112 {strides = array<i32>} : memref<128xi32, #tpu.memory_space<vmem>>, vector<16xi32>,
      %get3A_113 = arith.constant 48 : index
      %get3A_114 = tpu.vector_load %arg8[%get3A_113] {strides = array<i32>} : memref<256xi32, #tpu.memory_space<vmem>>, vector<16xi32>,
      %get3A_115 = vector.shape_cast %get3A_114 : vector<16xi32> to vector<16xi32>
      %add3A_116 = vector.broadcast %mul3A_15 : i32 to vector<16xi32>
      %add3A_117 = arith.addi %get3A_115, %add3A_116 : vector<16xi32>
      %swap3A_118 = arith.constant 48 : index
      %swap3A_119 = tpu.vector_load %arg9[%swap3A_118] {strides = array<i32>} : memref<128xi32, #tpu.memory_space<vmem>>, vector<16xi32>,
      %swap3A_120 = vector.shape_cast %swap3A_119 : vector<16xi32> to vector<16xi32>
      %swap3A_121 = vector.shape_cast %add3A_117 : vector<16xi32> to vector<16xi32>
      tpu.vector_store %arg9[%swap3A_118], %swap3A_121 {strides = array<i32>} : memref<128xi32, #tpu.memory_space<vmem>>, vector<16xi32>,
      %get3A_122 = arith.constant 176 : index
      %get3A_123 = tpu.vector_load %arg8[%get3A_122] {strides = array<i32>} : memref<256xi32, #tpu.memory_space<vmem>>, vector<16xi32>,
      %get3A_124 = vector.shape_cast %get3A_123 : vector<16xi32> to vector<16xi32>
      %swap3A_125 = arith.constant 48 : index
      %swap3A_126 = tpu.vector_load %arg11[%swap3A_125] {strides = array<i32>} : memref<128xi32, #tpu.memory_space<vmem>>, vector<16xi32>,
      %swap3A_127 = vector.shape_cast %swap3A_126 : vector<16xi32> to vector<16xi32>
      %swap3A_128 = vector.shape_cast %get3A_124 : vector<16xi32> to vector<16xi32>
      tpu.vector_store %arg11[%swap3A_125], %swap3A_128 {strides = array<i32>} : memref<128xi32, #tpu.memory_space<vmem>>, vector<16xi32>,
      %add3A_129 = vector.broadcast %mul3A_15 : i32 to vector<16xi32>
      %add3A_130 = arith.addi %get3A_124, %add3A_129 : vector<16xi32>
      %swap3A_131 = arith.constant 48 : index
      %swap3A_132 = tpu.vector_load %arg10[%swap3A_131] {strides = array<i32>} : memref<128xi32, #tpu.memory_space<vmem>>, vector<16xi32>,
      %swap3A_133 = vector.shape_cast %swap3A_132 : vector<16xi32> to vector<16xi32>
      %swap3A_134 = vector.shape_cast %add3A_130 : vector<16xi32> to vector<16xi32>
      tpu.vector_store %arg10[%swap3A_131], %swap3A_134 {strides = array<i32>} : memref<128xi32, #tpu.memory_space<vmem>>, vector<16xi32>,
      %get3A_135 = arith.constant 64 : index
      %get3A_136 = tpu.vector_load %arg8[%get3A_135] {strides = array<i32>} : memref<256xi32, #tpu.memory_space<vmem>>, vector<16xi32>,
      %get3A_137 = vector.shape_cast %get3A_136 : vector<16xi32> to vector<16xi32>
      %add3A_138 = vector.broadcast %mul3A_15 : i32 to vector<16xi32>
      %add3A_139 = arith.addi %get3A_137, %add3A_138 : vector<16xi32>
      %swap3A_140 = arith.constant 64 : index
      %swap3A_141 = tpu.vector_load %arg9[%swap3A_140] {strides = array<i32>} : memref<128xi32, #tpu.memory_space<vmem>>, vector<16xi32>,
      %swap3A_142 = vector.shape_cast %swap3A_141 : vector<16xi32> to vector<16xi32>
      %swap3A_143 = vector.shape_cast %add3A_139 : vector<16xi32> to vector<16xi32>
      tpu.vector_store %arg9[%swap3A_140], %swap3A_143 {strides = array<i32>} : memref<128xi32, #tpu.memory_space<vmem>>, vector<16xi32>,
      %get3A_144 = arith.constant 192 : index
      %get3A_145 = tpu.vector_load %arg8[%get3A_144] {strides = array<i32>} : memref<256xi32, #tpu.memory_space<vmem>>, vector<16xi32>,
      %get3A_146 = vector.shape_cast %get3A_145 : vector<16xi32> to vector<16xi32>
      %swap3A_147 = arith.constant 64 : index
      %swap3A_148 = tpu.vector_load %arg11[%swap3A_147] {strides = array<i32>} : memref<128xi32, #tpu.memory_space<vmem>>, vector<16xi32>,
      %swap3A_149 = vector.shape_cast %swap3A_148 : vector<16xi32> to vector<16xi32>
      %swap3A_150 = vector.shape_cast %get3A_146 : vector<16xi32> to vector<16xi32>
      tpu.vector_store %arg11[%swap3A_147], %swap3A_150 {strides = array<i32>} : memref<128xi32, #tpu.memory_space<vmem>>, vector<16xi32>,
      %add3A_151 = vector.broadcast %mul3A_15 : i32 to vector<16xi32>
      %add3A_152 = arith.addi %get3A_146, %add3A_151 : vector<16xi32>
      %swap3A_153 = arith.constant 64 : index
      %swap3A_154 = tpu.vector_load %arg10[%swap3A_153] {strides = array<i32>} : memref<128xi32, #tpu.memory_space<vmem>>, vector<16xi32>,
      %swap3A_155 = vector.shape_cast %swap3A_154 : vector<16xi32> to vector<16xi32>
      %swap3A_156 = vector.shape_cast %add3A_152 : vector<16xi32> to vector<16xi32>
      tpu.vector_store %arg10[%swap3A_153], %swap3A_156 {strides = array<i32>} : memref<128xi32, #tpu.memory_space<vmem>>, vector<16xi32>,
      %get3A_157 = arith.constant 80 : index
      %get3A_158 = tpu.vector_load %arg8[%get3A_157] {strides = array<i32>} : memref<256xi32, #tpu.memory_space<vmem>>, vector<16xi32>,
      %get3A_159 = vector.shape_cast %get3A_158 : vector<16xi32> to vector<16xi32>
      %add3A_160 = vector.broadcast %mul3A_15 : i32 to vector<16xi32>
      %add3A_161 = arith.addi %get3A_159, %add3A_160 : vector<16xi32>
      %swap3A_162 = arith.constant 80 : index
      %swap3A_163 = tpu.vector_load %arg9[%swap3A_162] {strides = array<i32>} : memref<128xi32, #tpu.memory_space<vmem>>, vector<16xi32>,
      %swap3A_164 = vector.shape_cast %swap3A_163 : vector<16xi32> to vector<16xi32>
      %swap3A_165 = vector.shape_cast %add3A_161 : vector<16xi32> to vector<16xi32>
      tpu.vector_store %arg9[%swap3A_162], %swap3A_165 {strides = array<i32>} : memref<128xi32, #tpu.memory_space<vmem>>, vector<16xi32>,
      %get3A_166 = arith.constant 208 : index
      %get3A_167 = tpu.vector_load %arg8[%get3A_166] {strides = array<i32>} : memref<256xi32, #tpu.memory_space<vmem>>, vector<16xi32>,
      %get3A_168 = vector.shape_cast %get3A_167 : vector<16xi32> to vector<16xi32>
      %swap3A_169 = arith.constant 80 : index
      %swap3A_170 = tpu.vector_load %arg11[%swap3A_169] {strides = array<i32>} : memref<128xi32, #tpu.memory_space<vmem>>, vector<16xi32>,
      %swap3A_171 = vector.shape_cast %swap3A_170 : vector<16xi32> to vector<16xi32>
      %swap3A_172 = vector.shape_cast %get3A_168 : vector<16xi32> to vector<16xi32>
      tpu.vector_store %arg11[%swap3A_169], %swap3A_172 {strides = array<i32>} : memref<128xi32, #tpu.memory_space<vmem>>, vector<16xi32>,
      %add3A_173 = vector.broadcast %mul3A_15 : i32 to vector<16xi32>
      %add3A_174 = arith.addi %get3A_168, %add3A_173 : vector<16xi32>
      %swap3A_175 = arith.constant 80 : index
      %swap3A_176 = tpu.vector_load %arg10[%swap3A_175] {strides = array<i32>} : memref<128xi32, #tpu.memory_space<vmem>>, vector<16xi32>,
      %swap3A_177 = vector.shape_cast %swap3A_176 : vector<16xi32> to vector<16xi32>
      %swap3A_178 = vector.shape_cast %add3A_174 : vector<16xi32> to vector<16xi32>
      tpu.vector_store %arg10[%swap3A_175], %swap3A_178 {strides = array<i32>} : memref<128xi32, #tpu.memory_space<vmem>>, vector<16xi32>,
      %get3A_179 = arith.constant 96 : index
      %get3A_180 = tpu.vector_load %arg8[%get3A_179] {strides = array<i32>} : memref<256xi32, #tpu.memory_space<vmem>>, vector<16xi32>,
      %get3A_181 = vector.shape_cast %get3A_180 : vector<16xi32> to vector<16xi32>
      %add3A_182 = vector.broadcast %mul3A_15 : i32 to vector<16xi32>
      %add3A_183 = arith.addi %get3A_181, %add3A_182 : vector<16xi32>
      %swap3A_184 = arith.constant 96 : index
      %swap3A_185 = tpu.vector_load %arg9[%swap3A_184] {strides = array<i32>} : memref<128xi32, #tpu.memory_space<vmem>>, vector<16xi32>,
      %swap3A_186 = vector.shape_cast %swap3A_185 : vector<16xi32> to vector<16xi32>
      %swap3A_187 = vector.shape_cast %add3A_183 : vector<16xi32> to vector<16xi32>
      tpu.vector_store %arg9[%swap3A_184], %swap3A_187 {strides = array<i32>} : memref<128xi32, #tpu.memory_space<vmem>>, vector<16xi32>,
      %get3A_188 = arith.constant 224 : index
      %get3A_189 = tpu.vector_load %arg8[%get3A_188] {strides = array<i32>} : memref<256xi32, #tpu.memory_space<vmem>>, vector<16xi32>,
      %get3A_190 = vector.shape_cast %get3A_189 : vector<16xi32> to vector<16xi32>
      %swap3A_191 = arith.constant 96 : index
      %swap3A_192 = tpu.vector_load %arg11[%swap3A_191] {strides = array<i32>} : memref<128xi32, #tpu.memory_space<vmem>>, vector<16xi32>,
      %swap3A_193 = vector.shape_cast %swap3A_192 : vector<16xi32> to vector<16xi32>
      %swap3A_194 = vector.shape_cast %get3A_190 : vector<16xi32> to vector<16xi32>
      tpu.vector_store %arg11[%swap3A_191], %swap3A_194 {strides = array<i32>} : memref<128xi32, #tpu.memory_space<vmem>>, vector<16xi32>,
      %add3A_195 = vector.broadcast %mul3A_15 : i32 to vector<16xi32>
      %add3A_196 = arith.addi %get3A_190, %add3A_195 : vector<16xi32>
      %swap3A_197 = arith.constant 96 : index
      %swap3A_198 = tpu.vector_load %arg10[%swap3A_197] {strides = array<i32>} : memref<128xi32, #tpu.memory_space<vmem>>, vector<16xi32>,
      %swap3A_199 = vector.shape_cast %swap3A_198 : vector<16xi32> to vector<16xi32>
      %swap3A_200 = vector.shape_cast %add3A_196 : vector<16xi32> to vector<16xi32>
      tpu.vector_store %arg10[%swap3A_197], %swap3A_200 {strides = array<i32>} : memref<128xi32, #tpu.memory_space<vmem>>, vector<16xi32>,
      %get3A_201 = arith.constant 112 : index
      %get3A_202 = tpu.vector_load %arg8[%get3A_201] {strides = array<i32>} : memref<256xi32, #tpu.memory_space<vmem>>, vector<16xi32>,
      %get3A_203 = vector.shape_cast %get3A_202 : vector<16xi32> to vector<16xi32>
      %add3A_204 = vector.broadcast %mul3A_15 : i32 to vector<16xi32>
      %add3A_205 = arith.addi %get3A_203, %add3A_204 : vector<16xi32>
      %swap3A_206 = arith.constant 112 : index
      %swap3A_207 = tpu.vector_load %arg9[%swap3A_206] {strides = array<i32>} : memref<128xi32, #tpu.memory_space<vmem>>, vector<16xi32>,
      %swap3A_208 = vector.shape_cast %swap3A_207 : vector<16xi32> to vector<16xi32>
      %swap3A_209 = vector.shape_cast %add3A_205 : vector<16xi32> to vector<16xi32>
      tpu.vector_store %arg9[%swap3A_206], %swap3A_209 {strides = array<i32>} : memref<128xi32, #tpu.memory_space<vmem>>, vector<16xi32>,
      %get3A_210 = arith.constant 240 : index
      %get3A_211 = tpu.vector_load %arg8[%get3A_210] {strides = array<i32>} : memref<256xi32, #tpu.memory_space<vmem>>, vector<16xi32>,
      %get3A_212 = vector.shape_cast %get3A_211 : vector<16xi32> to vector<16xi32>
      %swap3A_213 = arith.constant 112 : index
      %swap3A_214 = tpu.vector_load %arg11[%swap3A_213] {strides = array<i32>} : memref<128xi32, #tpu.memory_space<vmem>>, vector<16xi32>,
      %swap3A_215 = vector.shape_cast %swap3A_214 : vector<16xi32> to vector<16xi32>
      %swap3A_216 = vector.shape_cast %get3A_212 : vector<16xi32> to vector<16xi32>
      tpu.vector_store %arg11[%swap3A_213], %swap3A_216 {strides = array<i32>} : memref<128xi32, #tpu.memory_space<vmem>>, vector<16xi32>,
      %add3A_217 = vector.broadcast %mul3A_15 : i32 to vector<16xi32>
      %add3A_218 = arith.addi %get3A_212, %add3A_217 : vector<16xi32>
      %swap3A_219 = arith.constant 112 : index
      %swap3A_220 = tpu.vector_load %arg10[%swap3A_219] {strides = array<i32>} : memref<128xi32, #tpu.memory_space<vmem>>, vector<16xi32>,
      %swap3A_221 = vector.shape_cast %swap3A_220 : vector<16xi32> to vector<16xi32>
      %swap3A_222 = vector.shape_cast %add3A_218 : vector<16xi32> to vector<16xi32>
      tpu.vector_store %arg10[%swap3A_219], %swap3A_222 {strides = array<i32>} : memref<128xi32, #tpu.memory_space<vmem>>, vector<16xi32>,
      %dma_start3A = arith.constant 0 : i32
      %dma_start3A_223 = arith.constant 0 : i32
      %dma_start3A_224 = tpu.memref_slice %arg2[%dma_start3A, %dma_start3A_223] : memref<20000x128xf32, #tpu.memory_space<hbm>> -> memref<20000x128xf32, #tpu.memory_space<hbm>>
      tpu.enqueue_indirect_dma source(%dma_start3A_224 : memref<20000x128xf32, #tpu.memory_space<hbm>>) target(%arg12 : memref<128x128xf32, #tpu.memory_space<vmem>>) offsets(%arg9 : memref<128xi32, #tpu.memory_space<vmem>>) semaphore(%arg16 : memref<!tpu.dma_semaphore, #tpu.memory_space<semaphore_mem>>)
      %dma_start3A_225 = arith.constant 0 : i32
      %dma_start3A_226 = arith.constant 0 : i32
      %dma_start3A_227 = tpu.memref_slice %arg3[%dma_start3A_225, %dma_start3A_226] : memref<20000x128xf32, #tpu.memory_space<hbm>> -> memref<20000x128xf32, #tpu.memory_space<hbm>>
      tpu.enqueue_indirect_dma source(%dma_start3A_227 : memref<20000x128xf32, #tpu.memory_space<hbm>>) target(%arg13 : memref<128x128xf32, #tpu.memory_space<vmem>>) offsets(%arg9 : memref<128xi32, #tpu.memory_space<vmem>>) semaphore(%arg16 : memref<!tpu.dma_semaphore, #tpu.memory_space<semaphore_mem>>)
      %dma_start3A_228 = arith.constant 0 : i32
      %dma_start3A_229 = arith.constant 0 : i32
      %dma_start3A_230 = tpu.memref_slice %arg4[%dma_start3A_228, %dma_start3A_229] : memref<20000x128xf32, #tpu.memory_space<hbm>> -> memref<20000x128xf32, #tpu.memory_space<hbm>>
      tpu.enqueue_indirect_dma source(%dma_start3A_230 : memref<20000x128xf32, #tpu.memory_space<hbm>>) target(%arg14 : memref<128x128xf32, #tpu.memory_space<vmem>>) offsets(%arg10 : memref<128xi32, #tpu.memory_space<vmem>>) semaphore(%arg16 : memref<!tpu.dma_semaphore, #tpu.memory_space<semaphore_mem>>)
      %dma_wait3A = arith.constant 0 : i32
      %dma_wait3A_231 = arith.constant 0 : i32
      %dma_wait3A_232 = tpu.memref_slice %arg2[%dma_wait3A, %dma_wait3A_231] : memref<20000x128xf32, #tpu.memory_space<hbm>> -> memref<20000x128xf32, #tpu.memory_space<hbm>>
      tpu.wait_indirect_dma semaphore(%arg16 : memref<!tpu.dma_semaphore, #tpu.memory_space<semaphore_mem>>) src(%dma_wait3A_232 : memref<20000x128xf32, #tpu.memory_space<hbm>>) dst(%arg12 : memref<128x128xf32, #tpu.memory_space<vmem>>)
      %dma_wait3A_233 = arith.constant 0 : i32
      %dma_wait3A_234 = arith.constant 0 : i32
      %dma_wait3A_235 = tpu.memref_slice %arg3[%dma_wait3A_233, %dma_wait3A_234] : memref<20000x128xf32, #tpu.memory_space<hbm>> -> memref<20000x128xf32, #tpu.memory_space<hbm>>
      tpu.wait_indirect_dma semaphore(%arg16 : memref<!tpu.dma_semaphore, #tpu.memory_space<semaphore_mem>>) src(%dma_wait3A_235 : memref<20000x128xf32, #tpu.memory_space<hbm>>) dst(%arg13 : memref<128x128xf32, #tpu.memory_space<vmem>>)
      %dma_wait3A_236 = arith.constant 0 : i32
      %dma_wait3A_237 = arith.constant 0 : i32
      %dma_wait3A_238 = tpu.memref_slice %arg4[%dma_wait3A_236, %dma_wait3A_237] : memref<20000x128xf32, #tpu.memory_space<hbm>> -> memref<20000x128xf32, #tpu.memory_space<hbm>>
      tpu.wait_indirect_dma semaphore(%arg16 : memref<!tpu.dma_semaphore, #tpu.memory_space<semaphore_mem>>) src(%dma_wait3A_238 : memref<20000x128xf32, #tpu.memory_space<hbm>>) dst(%arg14 : memref<128x128xf32, #tpu.memory_space<vmem>>)
      %scan3A = arith.constant 0 : i32
      %scan3A_239 = arith.constant 128 : i32
      %scan3A_240 = arith.addi %scan3A, %scan3A_239 : i32
      %scan3A_241 = arith.constant 1 : i32
      scf.for %scan3A_243 = %scan3A to %scan3A_240 step %scan3A_241  : i32 {
        %mul3A_244 = arith.constant 1 : i32
        %mul3A_245 = arith.muli %scan3A_243, %mul3A_244 : i32
        %add3A_246 = arith.constant 0 : i32
        %add3A_247 = arith.addi %add3A_246, %mul3A_245 : i32
        %get3A_248 = arith.index_cast %add3A_247 : i32 to index
        %get3A_249 = arith.constant 0 : index
        %get3A_250 = tpu.vector_load %arg12[%get3A_248, %get3A_249] {strides = array<i32>} : memref<128x128xf32, #tpu.memory_space<vmem>>, vector<1x16xf32>,
        %get3A_251 = vector.shape_cast %get3A_250 : vector<1x16xf32> to vector<16xf32>
        %get3A_252 = arith.index_cast %add3A_247 : i32 to index
        %get3A_253 = arith.constant 0 : index
        %get3A_254 = tpu.vector_load %arg14[%get3A_252, %get3A_253] {strides = array<i32>} : memref<128x128xf32, #tpu.memory_space<vmem>>, vector<1x16xf32>,
        %get3A_255 = vector.shape_cast %get3A_254 : vector<1x16xf32> to vector<16xf32>
        %add3A_256 = arith.addf %get3A_251, %get3A_255 : vector<16xf32>
        %get3A_257 = arith.index_cast %add3A_247 : i32 to index
        %get3A_258 = arith.constant 0 : index
        %get3A_259 = tpu.vector_load %arg13[%get3A_257, %get3A_258] {strides = array<i32>} : memref<128x128xf32, #tpu.memory_space<vmem>>, vector<1x16xf32>,
        %get3A_260 = vector.shape_cast %get3A_259 : vector<1x16xf32> to vector<16xf32>
        %neg3A = arith.constant 0.000000e+00 : f32
        %neg3A_261 = vector.broadcast %neg3A : f32 to vector<16xf32>
        %neg3A_262 = arith.subf %neg3A_261, %add3A_256 : vector<16xf32>
        %exp3A = math.exp %neg3A_262 : vector<16xf32>
        %add3A_263 = arith.constant 1.000000e+00 : f32
        %add3A_264 = vector.broadcast %add3A_263 : f32 to vector<16xf32>
        %add3A_265 = arith.addf %add3A_264, %exp3A : vector<16xf32>
        %div3A_266 = arith.divf %get3A_260, %add3A_265 : vector<16xf32>
        %swap3A_267 = arith.index_cast %add3A_247 : i32 to index
        %swap3A_268 = arith.constant 0 : index
        %swap3A_269 = tpu.vector_load %arg12[%swap3A_267, %swap3A_268] {strides = array<i32>} : memref<128x128xf32, #tpu.memory_space<vmem>>, vector<1x16xf32>,
        %swap3A_270 = vector.shape_cast %swap3A_269 : vector<1x16xf32> to vector<16xf32>
        %swap3A_271 = vector.shape_cast %div3A_266 : vector<16xf32> to vector<1x16xf32>
        tpu.vector_store %arg12[%swap3A_267, %swap3A_268], %swap3A_271 {strides = array<i32>} : memref<128x128xf32, #tpu.memory_space<vmem>>, vector<1x16xf32>,
        %get3A_272 = arith.index_cast %add3A_247 : i32 to index
        %get3A_273 = arith.constant 16 : index
        %get3A_274 = tpu.vector_load %arg12[%get3A_272, %get3A_273] {strides = array<i32>} : memref<128x128xf32, #tpu.memory_space<vmem>>, vector<1x16xf32>,
        %get3A_275 = vector.shape_cast %get3A_274 : vector<1x16xf32> to vector<16xf32>
        %get3A_276 = arith.index_cast %add3A_247 : i32 to index
        %get3A_277 = arith.constant 16 : index
        %get3A_278 = tpu.vector_load %arg14[%get3A_276, %get3A_277] {strides = array<i32>} : memref<128x128xf32, #tpu.memory_space<vmem>>, vector<1x16xf32>,
        %get3A_279 = vector.shape_cast %get3A_278 : vector<1x16xf32> to vector<16xf32>
        %add3A_280 = arith.addf %get3A_275, %get3A_279 : vector<16xf32>
        %get3A_281 = arith.index_cast %add3A_247 : i32 to index
        %get3A_282 = arith.constant 16 : index
        %get3A_283 = tpu.vector_load %arg13[%get3A_281, %get3A_282] {strides = array<i32>} : memref<128x128xf32, #tpu.memory_space<vmem>>, vector<1x16xf32>,
        %get3A_284 = vector.shape_cast %get3A_283 : vector<1x16xf32> to vector<16xf32>
        %neg3A_285 = arith.constant 0.000000e+00 : f32
        %neg3A_286 = vector.broadcast %neg3A_285 : f32 to vector<16xf32>
        %neg3A_287 = arith.subf %neg3A_286, %add3A_280 : vector<16xf32>
        %exp3A_288 = math.exp %neg3A_287 : vector<16xf32>
        %add3A_289 = arith.constant 1.000000e+00 : f32
        %add3A_290 = vector.broadcast %add3A_289 : f32 to vector<16xf32>
        %add3A_291 = arith.addf %add3A_290, %exp3A_288 : vector<16xf32>
        %div3A_292 = arith.divf %get3A_284, %add3A_291 : vector<16xf32>
        %swap3A_293 = arith.index_cast %add3A_247 : i32 to index
        %swap3A_294 = arith.constant 16 : index
        %swap3A_295 = tpu.vector_load %arg12[%swap3A_293, %swap3A_294] {strides = array<i32>} : memref<128x128xf32, #tpu.memory_space<vmem>>, vector<1x16xf32>,
        %swap3A_296 = vector.shape_cast %swap3A_295 : vector<1x16xf32> to vector<16xf32>
        %swap3A_297 = vector.shape_cast %div3A_292 : vector<16xf32> to vector<1x16xf32>
        tpu.vector_store %arg12[%swap3A_293, %swap3A_294], %swap3A_297 {strides = array<i32>} : memref<128x128xf32, #tpu.memory_space<vmem>>, vector<1x16xf32>,
        %get3A_298 = arith.index_cast %add3A_247 : i32 to index
        %get3A_299 = arith.constant 32 : index
        %get3A_300 = tpu.vector_load %arg12[%get3A_298, %get3A_299] {strides = array<i32>} : memref<128x128xf32, #tpu.memory_space<vmem>>, vector<1x16xf32>,
        %get3A_301 = vector.shape_cast %get3A_300 : vector<1x16xf32> to vector<16xf32>
        %get3A_302 = arith.index_cast %add3A_247 : i32 to index
        %get3A_303 = arith.constant 32 : index
        %get3A_304 = tpu.vector_load %arg14[%get3A_302, %get3A_303] {strides = array<i32>} : memref<128x128xf32, #tpu.memory_space<vmem>>, vector<1x16xf32>,
        %get3A_305 = vector.shape_cast %get3A_304 : vector<1x16xf32> to vector<16xf32>
        %add3A_306 = arith.addf %get3A_301, %get3A_305 : vector<16xf32>
        %get3A_307 = arith.index_cast %add3A_247 : i32 to index
        %get3A_308 = arith.constant 32 : index
        %get3A_309 = tpu.vector_load %arg13[%get3A_307, %get3A_308] {strides = array<i32>} : memref<128x128xf32, #tpu.memory_space<vmem>>, vector<1x16xf32>,
        %get3A_310 = vector.shape_cast %get3A_309 : vector<1x16xf32> to vector<16xf32>
        %neg3A_311 = arith.constant 0.000000e+00 : f32
        %neg3A_312 = vector.broadcast %neg3A_311 : f32 to vector<16xf32>
        %neg3A_313 = arith.subf %neg3A_312, %add3A_306 : vector<16xf32>
        %exp3A_314 = math.exp %neg3A_313 : vector<16xf32>
        %add3A_315 = arith.constant 1.000000e+00 : f32
        %add3A_316 = vector.broadcast %add3A_315 : f32 to vector<16xf32>
        %add3A_317 = arith.addf %add3A_316, %exp3A_314 : vector<16xf32>
        %div3A_318 = arith.divf %get3A_310, %add3A_317 : vector<16xf32>
        %swap3A_319 = arith.index_cast %add3A_247 : i32 to index
        %swap3A_320 = arith.constant 32 : index
        %swap3A_321 = tpu.vector_load %arg12[%swap3A_319, %swap3A_320] {strides = array<i32>} : memref<128x128xf32, #tpu.memory_space<vmem>>, vector<1x16xf32>,
        %swap3A_322 = vector.shape_cast %swap3A_321 : vector<1x16xf32> to vector<16xf32>
        %swap3A_323 = vector.shape_cast %div3A_318 : vector<16xf32> to vector<1x16xf32>
        tpu.vector_store %arg12[%swap3A_319, %swap3A_320], %swap3A_323 {strides = array<i32>} : memref<128x128xf32, #tpu.memory_space<vmem>>, vector<1x16xf32>,
        %get3A_324 = arith.index_cast %add3A_247 : i32 to index
        %get3A_325 = arith.constant 48 : index
        %get3A_326 = tpu.vector_load %arg12[%get3A_324, %get3A_325] {strides = array<i32>} : memref<128x128xf32, #tpu.memory_space<vmem>>, vector<1x16xf32>,
        %get3A_327 = vector.shape_cast %get3A_326 : vector<1x16xf32> to vector<16xf32>
        %get3A_328 = arith.index_cast %add3A_247 : i32 to index
        %get3A_329 = arith.constant 48 : index
        %get3A_330 = tpu.vector_load %arg14[%get3A_328, %get3A_329] {strides = array<i32>} : memref<128x128xf32, #tpu.memory_space<vmem>>, vector<1x16xf32>,
        %get3A_331 = vector.shape_cast %get3A_330 : vector<1x16xf32> to vector<16xf32>
        %add3A_332 = arith.addf %get3A_327, %get3A_331 : vector<16xf32>
        %get3A_333 = arith.index_cast %add3A_247 : i32 to index
        %get3A_334 = arith.constant 48 : index
        %get3A_335 = tpu.vector_load %arg13[%get3A_333, %get3A_334] {strides = array<i32>} : memref<128x128xf32, #tpu.memory_space<vmem>>, vector<1x16xf32>,
        %get3A_336 = vector.shape_cast %get3A_335 : vector<1x16xf32> to vector<16xf32>
        %neg3A_337 = arith.constant 0.000000e+00 : f32
        %neg3A_338 = vector.broadcast %neg3A_337 : f32 to vector<16xf32>
        %neg3A_339 = arith.subf %neg3A_338, %add3A_332 : vector<16xf32>
        %exp3A_340 = math.exp %neg3A_339 : vector<16xf32>
        %add3A_341 = arith.constant 1.000000e+00 : f32
        %add3A_342 = vector.broadcast %add3A_341 : f32 to vector<16xf32>
        %add3A_343 = arith.addf %add3A_342, %exp3A_340 : vector<16xf32>
        %div3A_344 = arith.divf %get3A_336, %add3A_343 : vector<16xf32>
        %swap3A_345 = arith.index_cast %add3A_247 : i32 to index
        %swap3A_346 = arith.constant 48 : index
        %swap3A_347 = tpu.vector_load %arg12[%swap3A_345, %swap3A_346] {strides = array<i32>} : memref<128x128xf32, #tpu.memory_space<vmem>>, vector<1x16xf32>,
        %swap3A_348 = vector.shape_cast %swap3A_347 : vector<1x16xf32> to vector<16xf32>
        %swap3A_349 = vector.shape_cast %div3A_344 : vector<16xf32> to vector<1x16xf32>
        tpu.vector_store %arg12[%swap3A_345, %swap3A_346], %swap3A_349 {strides = array<i32>} : memref<128x128xf32, #tpu.memory_space<vmem>>, vector<1x16xf32>,
        %get3A_350 = arith.index_cast %add3A_247 : i32 to index
        %get3A_351 = arith.constant 64 : index
        %get3A_352 = tpu.vector_load %arg12[%get3A_350, %get3A_351] {strides = array<i32>} : memref<128x128xf32, #tpu.memory_space<vmem>>, vector<1x16xf32>,
        %get3A_353 = vector.shape_cast %get3A_352 : vector<1x16xf32> to vector<16xf32>
        %get3A_354 = arith.index_cast %add3A_247 : i32 to index
        %get3A_355 = arith.constant 64 : index
        %get3A_356 = tpu.vector_load %arg14[%get3A_354, %get3A_355] {strides = array<i32>} : memref<128x128xf32, #tpu.memory_space<vmem>>, vector<1x16xf32>,
        %get3A_357 = vector.shape_cast %get3A_356 : vector<1x16xf32> to vector<16xf32>
        %add3A_358 = arith.addf %get3A_353, %get3A_357 : vector<16xf32>
        %get3A_359 = arith.index_cast %add3A_247 : i32 to index
        %get3A_360 = arith.constant 64 : index
        %get3A_361 = tpu.vector_load %arg13[%get3A_359, %get3A_360] {strides = array<i32>} : memref<128x128xf32, #tpu.memory_space<vmem>>, vector<1x16xf32>,
        %get3A_362 = vector.shape_cast %get3A_361 : vector<1x16xf32> to vector<16xf32>
        %neg3A_363 = arith.constant 0.000000e+00 : f32
        %neg3A_364 = vector.broadcast %neg3A_363 : f32 to vector<16xf32>
        %neg3A_365 = arith.subf %neg3A_364, %add3A_358 : vector<16xf32>
        %exp3A_366 = math.exp %neg3A_365 : vector<16xf32>
        %add3A_367 = arith.constant 1.000000e+00 : f32
        %add3A_368 = vector.broadcast %add3A_367 : f32 to vector<16xf32>
        %add3A_369 = arith.addf %add3A_368, %exp3A_366 : vector<16xf32>
        %div3A_370 = arith.divf %get3A_362, %add3A_369 : vector<16xf32>
        %swap3A_371 = arith.index_cast %add3A_247 : i32 to index
        %swap3A_372 = arith.constant 64 : index
        %swap3A_373 = tpu.vector_load %arg12[%swap3A_371, %swap3A_372] {strides = array<i32>} : memref<128x128xf32, #tpu.memory_space<vmem>>, vector<1x16xf32>,
        %swap3A_374 = vector.shape_cast %swap3A_373 : vector<1x16xf32> to vector<16xf32>
        %swap3A_375 = vector.shape_cast %div3A_370 : vector<16xf32> to vector<1x16xf32>
        tpu.vector_store %arg12[%swap3A_371, %swap3A_372], %swap3A_375 {strides = array<i32>} : memref<128x128xf32, #tpu.memory_space<vmem>>, vector<1x16xf32>,
        %get3A_376 = arith.index_cast %add3A_247 : i32 to index
        %get3A_377 = arith.constant 80 : index
        %get3A_378 = tpu.vector_load %arg12[%get3A_376, %get3A_377] {strides = array<i32>} : memref<128x128xf32, #tpu.memory_space<vmem>>, vector<1x16xf32>,
        %get3A_379 = vector.shape_cast %get3A_378 : vector<1x16xf32> to vector<16xf32>
        %get3A_380 = arith.index_cast %add3A_247 : i32 to index
        %get3A_381 = arith.constant 80 : index
        %get3A_382 = tpu.vector_load %arg14[%get3A_380, %get3A_381] {strides = array<i32>} : memref<128x128xf32, #tpu.memory_space<vmem>>, vector<1x16xf32>,
        %get3A_383 = vector.shape_cast %get3A_382 : vector<1x16xf32> to vector<16xf32>
        %add3A_384 = arith.addf %get3A_379, %get3A_383 : vector<16xf32>
        %get3A_385 = arith.index_cast %add3A_247 : i32 to index
        %get3A_386 = arith.constant 80 : index
        %get3A_387 = tpu.vector_load %arg13[%get3A_385, %get3A_386] {strides = array<i32>} : memref<128x128xf32, #tpu.memory_space<vmem>>, vector<1x16xf32>,
        %get3A_388 = vector.shape_cast %get3A_387 : vector<1x16xf32> to vector<16xf32>
        %neg3A_389 = arith.constant 0.000000e+00 : f32
        %neg3A_390 = vector.broadcast %neg3A_389 : f32 to vector<16xf32>
        %neg3A_391 = arith.subf %neg3A_390, %add3A_384 : vector<16xf32>
        %exp3A_392 = math.exp %neg3A_391 : vector<16xf32>
        %add3A_393 = arith.constant 1.000000e+00 : f32
        %add3A_394 = vector.broadcast %add3A_393 : f32 to vector<16xf32>
        %add3A_395 = arith.addf %add3A_394, %exp3A_392 : vector<16xf32>
        %div3A_396 = arith.divf %get3A_388, %add3A_395 : vector<16xf32>
        %swap3A_397 = arith.index_cast %add3A_247 : i32 to index
        %swap3A_398 = arith.constant 80 : index
        %swap3A_399 = tpu.vector_load %arg12[%swap3A_397, %swap3A_398] {strides = array<i32>} : memref<128x128xf32, #tpu.memory_space<vmem>>, vector<1x16xf32>,
        %swap3A_400 = vector.shape_cast %swap3A_399 : vector<1x16xf32> to vector<16xf32>
        %swap3A_401 = vector.shape_cast %div3A_396 : vector<16xf32> to vector<1x16xf32>
        tpu.vector_store %arg12[%swap3A_397, %swap3A_398], %swap3A_401 {strides = array<i32>} : memref<128x128xf32, #tpu.memory_space<vmem>>, vector<1x16xf32>,
        %get3A_402 = arith.index_cast %add3A_247 : i32 to index
        %get3A_403 = arith.constant 96 : index
        %get3A_404 = tpu.vector_load %arg12[%get3A_402, %get3A_403] {strides = array<i32>} : memref<128x128xf32, #tpu.memory_space<vmem>>, vector<1x16xf32>,
        %get3A_405 = vector.shape_cast %get3A_404 : vector<1x16xf32> to vector<16xf32>
        %get3A_406 = arith.index_cast %add3A_247 : i32 to index
        %get3A_407 = arith.constant 96 : index
        %get3A_408 = tpu.vector_load %arg14[%get3A_406, %get3A_407] {strides = array<i32>} : memref<128x128xf32, #tpu.memory_space<vmem>>, vector<1x16xf32>,
        %get3A_409 = vector.shape_cast %get3A_408 : vector<1x16xf32> to vector<16xf32>
        %add3A_410 = arith.addf %get3A_405, %get3A_409 : vector<16xf32>
        %get3A_411 = arith.index_cast %add3A_247 : i32 to index
        %get3A_412 = arith.constant 96 : index
        %get3A_413 = tpu.vector_load %arg13[%get3A_411, %get3A_412] {strides = array<i32>} : memref<128x128xf32, #tpu.memory_space<vmem>>, vector<1x16xf32>,
        %get3A_414 = vector.shape_cast %get3A_413 : vector<1x16xf32> to vector<16xf32>
        %neg3A_415 = arith.constant 0.000000e+00 : f32
        %neg3A_416 = vector.broadcast %neg3A_415 : f32 to vector<16xf32>
        %neg3A_417 = arith.subf %neg3A_416, %add3A_410 : vector<16xf32>
        %exp3A_418 = math.exp %neg3A_417 : vector<16xf32>
        %add3A_419 = arith.constant 1.000000e+00 : f32
        %add3A_420 = vector.broadcast %add3A_419 : f32 to vector<16xf32>
        %add3A_421 = arith.addf %add3A_420, %exp3A_418 : vector<16xf32>
        %div3A_422 = arith.divf %get3A_414, %add3A_421 : vector<16xf32>
        %swap3A_423 = arith.index_cast %add3A_247 : i32 to index
        %swap3A_424 = arith.constant 96 : index
        %swap3A_425 = tpu.vector_load %arg12[%swap3A_423, %swap3A_424] {strides = array<i32>} : memref<128x128xf32, #tpu.memory_space<vmem>>, vector<1x16xf32>,
        %swap3A_426 = vector.shape_cast %swap3A_425 : vector<1x16xf32> to vector<16xf32>
        %swap3A_427 = vector.shape_cast %div3A_422 : vector<16xf32> to vector<1x16xf32>
        tpu.vector_store %arg12[%swap3A_423, %swap3A_424], %swap3A_427 {strides = array<i32>} : memref<128x128xf32, #tpu.memory_space<vmem>>, vector<1x16xf32>,
        %get3A_428 = arith.index_cast %add3A_247 : i32 to index
        %get3A_429 = arith.constant 112 : index
        %get3A_430 = tpu.vector_load %arg12[%get3A_428, %get3A_429] {strides = array<i32>} : memref<128x128xf32, #tpu.memory_space<vmem>>, vector<1x16xf32>,
        %get3A_431 = vector.shape_cast %get3A_430 : vector<1x16xf32> to vector<16xf32>
        %get3A_432 = arith.index_cast %add3A_247 : i32 to index
        %get3A_433 = arith.constant 112 : index
        %get3A_434 = tpu.vector_load %arg14[%get3A_432, %get3A_433] {strides = array<i32>} : memref<128x128xf32, #tpu.memory_space<vmem>>, vector<1x16xf32>,
        %get3A_435 = vector.shape_cast %get3A_434 : vector<1x16xf32> to vector<16xf32>
        %add3A_436 = arith.addf %get3A_431, %get3A_435 : vector<16xf32>
        %get3A_437 = arith.index_cast %add3A_247 : i32 to index
        %get3A_438 = arith.constant 112 : index
        %get3A_439 = tpu.vector_load %arg13[%get3A_437, %get3A_438] {strides = array<i32>} : memref<128x128xf32, #tpu.memory_space<vmem>>, vector<1x16xf32>,
        %get3A_440 = vector.shape_cast %get3A_439 : vector<1x16xf32> to vector<16xf32>
        %neg3A_441 = arith.constant 0.000000e+00 : f32
        %neg3A_442 = vector.broadcast %neg3A_441 : f32 to vector<16xf32>
        %neg3A_443 = arith.subf %neg3A_442, %add3A_436 : vector<16xf32>
        %exp3A_444 = math.exp %neg3A_443 : vector<16xf32>
        %add3A_445 = arith.constant 1.000000e+00 : f32
        %add3A_446 = vector.broadcast %add3A_445 : f32 to vector<16xf32>
        %add3A_447 = arith.addf %add3A_446, %exp3A_444 : vector<16xf32>
        %div3A_448 = arith.divf %get3A_440, %add3A_447 : vector<16xf32>
        %swap3A_449 = arith.index_cast %add3A_247 : i32 to index
        %swap3A_450 = arith.constant 112 : index
        %swap3A_451 = tpu.vector_load %arg12[%swap3A_449, %swap3A_450] {strides = array<i32>} : memref<128x128xf32, #tpu.memory_space<vmem>>, vector<1x16xf32>,
        %swap3A_452 = vector.shape_cast %swap3A_451 : vector<1x16xf32> to vector<16xf32>
        %swap3A_453 = vector.shape_cast %div3A_448 : vector<16xf32> to vector<1x16xf32>
        tpu.vector_store %arg12[%swap3A_449, %swap3A_450], %swap3A_453 {strides = array<i32>} : memref<128x128xf32, #tpu.memory_space<vmem>>, vector<1x16xf32>,
      }
      %scan3A_242 = arith.constant 128 : i32
      "tpu.region"() ({
        %run_scoped3A = tpu.sem_alloc : memref<!tpu.dma_semaphore, #tpu.memory_space<semaphore_mem>>
        %dma_start3A_243 = arith.constant 0 : i32
        %dma_start3A_244 = arith.constant 0 : i32
        %dma_start3A_245 = tpu.memref_slice %arg15[%dma_start3A_243, %dma_start3A_244] : memref<10000x128xf32, #tpu.memory_space<vmem_shared>> -> memref<10000x128xf32, #tpu.memory_space<vmem_shared>>
        tpu.enqueue_indirect_dma source(%arg12 : memref<128x128xf32, #tpu.memory_space<vmem>>) target(%dma_start3A_245 : memref<10000x128xf32, #tpu.memory_space<vmem_shared>>) offsets(%arg11 : memref<128xi32, #tpu.memory_space<vmem>>) semaphore(%run_scoped3A : memref<!tpu.dma_semaphore, #tpu.memory_space<semaphore_mem>>) {add = true}
        %dma_wait3A_246 = arith.constant 0 : i32
        %dma_wait3A_247 = arith.constant 0 : i32
        %dma_wait3A_248 = tpu.memref_slice %arg15[%dma_wait3A_246, %dma_wait3A_247] : memref<10000x128xf32, #tpu.memory_space<vmem_shared>> -> memref<10000x128xf32, #tpu.memory_space<vmem_shared>>
        tpu.wait_indirect_dma semaphore(%run_scoped3A : memref<!tpu.dma_semaphore, #tpu.memory_space<semaphore_mem>>) src(%arg12 : memref<128x128xf32, #tpu.memory_space<vmem>>) dst(%dma_wait3A_248 : memref<10000x128xf32, #tpu.memory_space<vmem_shared>>)
        tpu.yield
      }) : () -> ()
    }
    %while3A_31 = arith.constant 1 : i32
    scf.for %while3A_41 = %while3A_29 to %while3A_25 step %while3A_31  : i32 {
      %mul3A_42 = arith.muli %while3A_41, %while3A : i32
      %add3A_43 = arith.addi %while3A_22, %mul3A_42 : i32
      %add3A_44 = arith.addi %add3A_13, %add3A_43 : i32
      %mul3A_45 = arith.constant 2 : i32
      %mul3A_46 = arith.muli %add3A_44, %mul3A_45 : i32
      %mul3A_47 = arith.constant 128 : i32
      %mul3A_48 = arith.muli %mul3A_46, %mul3A_47 : i32
      "tpu.region"() ({
        %run_scoped3A = tpu.sem_alloc : memref<!tpu.dma_semaphore, #tpu.memory_space<semaphore_mem>>
        %dma_start3A_243 = tpu.memref_slice %arg6[%mul3A_48] : memref<1280000xi32, #tpu.memory_space<hbm>> -> memref<256xi32, #tpu.memory_space<hbm>>
        %dma_start3A_244 = tpu.memref_slice %arg6[%mul3A_48] : memref<1280000xi32, #tpu.memory_space<hbm>> -> memref<256xi32, #tpu.memory_space<hbm>>
        tpu.enqueue_dma source(%dma_start3A_244 : memref<256xi32, #tpu.memory_space<hbm>>) target(%arg8 : memref<256xi32, #tpu.memory_space<vmem>>) target_semaphore(%run_scoped3A : memref<!tpu.dma_semaphore, #tpu.memory_space<semaphore_mem>>)
        %dma_wait3A_245 = tpu.memref_slice %arg6[%mul3A_48] : memref<1280000xi32, #tpu.memory_space<hbm>> -> memref<256xi32, #tpu.memory_space<hbm>>
        %dma_wait3A_246 = tpu.memref_slice %arg6[%mul3A_48] : memref<1280000xi32, #tpu.memory_space<hbm>> -> memref<256xi32, #tpu.memory_space<hbm>>
        tpu.wait_dma2 semaphore(%run_scoped3A : memref<!tpu.dma_semaphore, #tpu.memory_space<semaphore_mem>>) src(%dma_wait3A_246 : memref<256xi32, #tpu.memory_space<hbm>>) dst(%arg8 : memref<256xi32, #tpu.memory_space<vmem>>)
        tpu.yield
      }) : () -> ()
      %get3A = arith.constant 0 : index
      %get3A_49 = tpu.vector_load %arg8[%get3A] {strides = array<i32>} : memref<256xi32, #tpu.memory_space<vmem>>, vector<16xi32>,
      %get3A_50 = vector.shape_cast %get3A_49 : vector<16xi32> to vector<16xi32>
      %add3A_51 = vector.broadcast %mul3A_15 : i32 to vector<16xi32>
      %add3A_52 = arith.addi %get3A_50, %add3A_51 : vector<16xi32>
      %swap3A = arith.constant 0 : index
      %swap3A_53 = tpu.vector_load %arg9[%swap3A] {strides = array<i32>} : memref<128xi32, #tpu.memory_space<vmem>>, vector<16xi32>,
      %swap3A_54 = vector.shape_cast %swap3A_53 : vector<16xi32> to vector<16xi32>
      %swap3A_55 = vector.shape_cast %add3A_52 : vector<16xi32> to vector<16xi32>
      tpu.vector_store %arg9[%swap3A], %swap3A_55 {strides = array<i32>} : memref<128xi32, #tpu.memory_space<vmem>>, vector<16xi32>,
      %get3A_56 = arith.constant 128 : index
      %get3A_57 = tpu.vector_load %arg8[%get3A_56] {strides = array<i32>} : memref<256xi32, #tpu.memory_space<vmem>>, vector<16xi32>,
      %get3A_58 = vector.shape_cast %get3A_57 : vector<16xi32> to vector<16xi32>
      %swap3A_59 = arith.constant 0 : index
      %swap3A_60 = tpu.vector_load %arg11[%swap3A_59] {strides = array<i32>} : memref<128xi32, #tpu.memory_space<vmem>>, vector<16xi32>,
      %swap3A_61 = vector.shape_cast %swap3A_60 : vector<16xi32> to vector<16xi32>
      %swap3A_62 = vector.shape_cast %get3A_58 : vector<16xi32> to vector<16xi32>
      tpu.vector_store %arg11[%swap3A_59], %swap3A_62 {strides = array<i32>} : memref<128xi32, #tpu.memory_space<vmem>>, vector<16xi32>,
      %add3A_63 = vector.broadcast %mul3A_15 : i32 to vector<16xi32>
      %add3A_64 = arith.addi %get3A_58, %add3A_63 : vector<16xi32>
      %swap3A_65 = arith.constant 0 : index
      %swap3A_66 = tpu.vector_load %arg10[%swap3A_65] {strides = array<i32>} : memref<128xi32, #tpu.memory_space<vmem>>, vector<16xi32>,
      %swap3A_67 = vector.shape_cast %swap3A_66 : vector<16xi32> to vector<16xi32>
      %swap3A_68 = vector.shape_cast %add3A_64 : vector<16xi32> to vector<16xi32>
      tpu.vector_store %arg10[%swap3A_65], %swap3A_68 {strides = array<i32>} : memref<128xi32, #tpu.memory_space<vmem>>, vector<16xi32>,
      %get3A_69 = arith.constant 16 : index
      %get3A_70 = tpu.vector_load %arg8[%get3A_69] {strides = array<i32>} : memref<256xi32, #tpu.memory_space<vmem>>, vector<16xi32>,
      %get3A_71 = vector.shape_cast %get3A_70 : vector<16xi32> to vector<16xi32>
      %add3A_72 = vector.broadcast %mul3A_15 : i32 to vector<16xi32>
      %add3A_73 = arith.addi %get3A_71, %add3A_72 : vector<16xi32>
      %swap3A_74 = arith.constant 16 : index
      %swap3A_75 = tpu.vector_load %arg9[%swap3A_74] {strides = array<i32>} : memref<128xi32, #tpu.memory_space<vmem>>, vector<16xi32>,
      %swap3A_76 = vector.shape_cast %swap3A_75 : vector<16xi32> to vector<16xi32>
      %swap3A_77 = vector.shape_cast %add3A_73 : vector<16xi32> to vector<16xi32>
      tpu.vector_store %arg9[%swap3A_74], %swap3A_77 {strides = array<i32>} : memref<128xi32, #tpu.memory_space<vmem>>, vector<16xi32>,
      %get3A_78 = arith.constant 144 : index
      %get3A_79 = tpu.vector_load %arg8[%get3A_78] {strides = array<i32>} : memref<256xi32, #tpu.memory_space<vmem>>, vector<16xi32>,
      %get3A_80 = vector.shape_cast %get3A_79 : vector<16xi32> to vector<16xi32>
      %swap3A_81 = arith.constant 16 : index
      %swap3A_82 = tpu.vector_load %arg11[%swap3A_81] {strides = array<i32>} : memref<128xi32, #tpu.memory_space<vmem>>, vector<16xi32>,
      %swap3A_83 = vector.shape_cast %swap3A_82 : vector<16xi32> to vector<16xi32>
      %swap3A_84 = vector.shape_cast %get3A_80 : vector<16xi32> to vector<16xi32>
      tpu.vector_store %arg11[%swap3A_81], %swap3A_84 {strides = array<i32>} : memref<128xi32, #tpu.memory_space<vmem>>, vector<16xi32>,
      %add3A_85 = vector.broadcast %mul3A_15 : i32 to vector<16xi32>
      %add3A_86 = arith.addi %get3A_80, %add3A_85 : vector<16xi32>
      %swap3A_87 = arith.constant 16 : index
      %swap3A_88 = tpu.vector_load %arg10[%swap3A_87] {strides = array<i32>} : memref<128xi32, #tpu.memory_space<vmem>>, vector<16xi32>,
      %swap3A_89 = vector.shape_cast %swap3A_88 : vector<16xi32> to vector<16xi32>
      %swap3A_90 = vector.shape_cast %add3A_86 : vector<16xi32> to vector<16xi32>
      tpu.vector_store %arg10[%swap3A_87], %swap3A_90 {strides = array<i32>} : memref<128xi32, #tpu.memory_space<vmem>>, vector<16xi32>,
      %get3A_91 = arith.constant 32 : index
      %get3A_92 = tpu.vector_load %arg8[%get3A_91] {strides = array<i32>} : memref<256xi32, #tpu.memory_space<vmem>>, vector<16xi32>,
      %get3A_93 = vector.shape_cast %get3A_92 : vector<16xi32> to vector<16xi32>
      %add3A_94 = vector.broadcast %mul3A_15 : i32 to vector<16xi32>
      %add3A_95 = arith.addi %get3A_93, %add3A_94 : vector<16xi32>
      %swap3A_96 = arith.constant 32 : index
      %swap3A_97 = tpu.vector_load %arg9[%swap3A_96] {strides = array<i32>} : memref<128xi32, #tpu.memory_space<vmem>>, vector<16xi32>,
      %swap3A_98 = vector.shape_cast %swap3A_97 : vector<16xi32> to vector<16xi32>
      %swap3A_99 = vector.shape_cast %add3A_95 : vector<16xi32> to vector<16xi32>
      tpu.vector_store %arg9[%swap3A_96], %swap3A_99 {strides = array<i32>} : memref<128xi32, #tpu.memory_space<vmem>>, vector<16xi32>,
      %get3A_100 = arith.constant 160 : index
      %get3A_101 = tpu.vector_load %arg8[%get3A_100] {strides = array<i32>} : memref<256xi32, #tpu.memory_space<vmem>>, vector<16xi32>,
      %get3A_102 = vector.shape_cast %get3A_101 : vector<16xi32> to vector<16xi32>
      %swap3A_103 = arith.constant 32 : index
      %swap3A_104 = tpu.vector_load %arg11[%swap3A_103] {strides = array<i32>} : memref<128xi32, #tpu.memory_space<vmem>>, vector<16xi32>,
      %swap3A_105 = vector.shape_cast %swap3A_104 : vector<16xi32> to vector<16xi32>
      %swap3A_106 = vector.shape_cast %get3A_102 : vector<16xi32> to vector<16xi32>
      tpu.vector_store %arg11[%swap3A_103], %swap3A_106 {strides = array<i32>} : memref<128xi32, #tpu.memory_space<vmem>>, vector<16xi32>,
      %add3A_107 = vector.broadcast %mul3A_15 : i32 to vector<16xi32>
      %add3A_108 = arith.addi %get3A_102, %add3A_107 : vector<16xi32>
      %swap3A_109 = arith.constant 32 : index
      %swap3A_110 = tpu.vector_load %arg10[%swap3A_109] {strides = array<i32>} : memref<128xi32, #tpu.memory_space<vmem>>, vector<16xi32>,
      %swap3A_111 = vector.shape_cast %swap3A_110 : vector<16xi32> to vector<16xi32>
      %swap3A_112 = vector.shape_cast %add3A_108 : vector<16xi32> to vector<16xi32>
      tpu.vector_store %arg10[%swap3A_109], %swap3A_112 {strides = array<i32>} : memref<128xi32, #tpu.memory_space<vmem>>, vector<16xi32>,
      %get3A_113 = arith.constant 48 : index
      %get3A_114 = tpu.vector_load %arg8[%get3A_113] {strides = array<i32>} : memref<256xi32, #tpu.memory_space<vmem>>, vector<16xi32>,
      %get3A_115 = vector.shape_cast %get3A_114 : vector<16xi32> to vector<16xi32>
      %add3A_116 = vector.broadcast %mul3A_15 : i32 to vector<16xi32>
      %add3A_117 = arith.addi %get3A_115, %add3A_116 : vector<16xi32>
      %swap3A_118 = arith.constant 48 : index
      %swap3A_119 = tpu.vector_load %arg9[%swap3A_118] {strides = array<i32>} : memref<128xi32, #tpu.memory_space<vmem>>, vector<16xi32>,
      %swap3A_120 = vector.shape_cast %swap3A_119 : vector<16xi32> to vector<16xi32>
      %swap3A_121 = vector.shape_cast %add3A_117 : vector<16xi32> to vector<16xi32>
      tpu.vector_store %arg9[%swap3A_118], %swap3A_121 {strides = array<i32>} : memref<128xi32, #tpu.memory_space<vmem>>, vector<16xi32>,
      %get3A_122 = arith.constant 176 : index
      %get3A_123 = tpu.vector_load %arg8[%get3A_122] {strides = array<i32>} : memref<256xi32, #tpu.memory_space<vmem>>, vector<16xi32>,
      %get3A_124 = vector.shape_cast %get3A_123 : vector<16xi32> to vector<16xi32>
      %swap3A_125 = arith.constant 48 : index
      %swap3A_126 = tpu.vector_load %arg11[%swap3A_125] {strides = array<i32>} : memref<128xi32, #tpu.memory_space<vmem>>, vector<16xi32>,
      %swap3A_127 = vector.shape_cast %swap3A_126 : vector<16xi32> to vector<16xi32>
      %swap3A_128 = vector.shape_cast %get3A_124 : vector<16xi32> to vector<16xi32>
      tpu.vector_store %arg11[%swap3A_125], %swap3A_128 {strides = array<i32>} : memref<128xi32, #tpu.memory_space<vmem>>, vector<16xi32>,
      %add3A_129 = vector.broadcast %mul3A_15 : i32 to vector<16xi32>
      %add3A_130 = arith.addi %get3A_124, %add3A_129 : vector<16xi32>
      %swap3A_131 = arith.constant 48 : index
      %swap3A_132 = tpu.vector_load %arg10[%swap3A_131] {strides = array<i32>} : memref<128xi32, #tpu.memory_space<vmem>>, vector<16xi32>,
      %swap3A_133 = vector.shape_cast %swap3A_132 : vector<16xi32> to vector<16xi32>
      %swap3A_134 = vector.shape_cast %add3A_130 : vector<16xi32> to vector<16xi32>
      tpu.vector_store %arg10[%swap3A_131], %swap3A_134 {strides = array<i32>} : memref<128xi32, #tpu.memory_space<vmem>>, vector<16xi32>,
      %get3A_135 = arith.constant 64 : index
      %get3A_136 = tpu.vector_load %arg8[%get3A_135] {strides = array<i32>} : memref<256xi32, #tpu.memory_space<vmem>>, vector<16xi32>,
      %get3A_137 = vector.shape_cast %get3A_136 : vector<16xi32> to vector<16xi32>
      %add3A_138 = vector.broadcast %mul3A_15 : i32 to vector<16xi32>
      %add3A_139 = arith.addi %get3A_137, %add3A_138 : vector<16xi32>
      %swap3A_140 = arith.constant 64 : index
      %swap3A_141 = tpu.vector_load %arg9[%swap3A_140] {strides = array<i32>} : memref<128xi32, #tpu.memory_space<vmem>>, vector<16xi32>,
      %swap3A_142 = vector.shape_cast %swap3A_141 : vector<16xi32> to vector<16xi32>
      %swap3A_143 = vector.shape_cast %add3A_139 : vector<16xi32> to vector<16xi32>
      tpu.vector_store %arg9[%swap3A_140], %swap3A_143 {strides = array<i32>} : memref<128xi32, #tpu.memory_space<vmem>>, vector<16xi32>,
      %get3A_144 = arith.constant 192 : index
      %get3A_145 = tpu.vector_load %arg8[%get3A_144] {strides = array<i32>} : memref<256xi32, #tpu.memory_space<vmem>>, vector<16xi32>,
      %get3A_146 = vector.shape_cast %get3A_145 : vector<16xi32> to vector<16xi32>
      %swap3A_147 = arith.constant 64 : index
      %swap3A_148 = tpu.vector_load %arg11[%swap3A_147] {strides = array<i32>} : memref<128xi32, #tpu.memory_space<vmem>>, vector<16xi32>,
      %swap3A_149 = vector.shape_cast %swap3A_148 : vector<16xi32> to vector<16xi32>
      %swap3A_150 = vector.shape_cast %get3A_146 : vector<16xi32> to vector<16xi32>
      tpu.vector_store %arg11[%swap3A_147], %swap3A_150 {strides = array<i32>} : memref<128xi32, #tpu.memory_space<vmem>>, vector<16xi32>,
      %add3A_151 = vector.broadcast %mul3A_15 : i32 to vector<16xi32>
      %add3A_152 = arith.addi %get3A_146, %add3A_151 : vector<16xi32>
      %swap3A_153 = arith.constant 64 : index
      %swap3A_154 = tpu.vector_load %arg10[%swap3A_153] {strides = array<i32>} : memref<128xi32, #tpu.memory_space<vmem>>, vector<16xi32>,
      %swap3A_155 = vector.shape_cast %swap3A_154 : vector<16xi32> to vector<16xi32>
      %swap3A_156 = vector.shape_cast %add3A_152 : vector<16xi32> to vector<16xi32>
      tpu.vector_store %arg10[%swap3A_153], %swap3A_156 {strides = array<i32>} : memref<128xi32, #tpu.memory_space<vmem>>, vector<16xi32>,
      %get3A_157 = arith.constant 80 : index
      %get3A_158 = tpu.vector_load %arg8[%get3A_157] {strides = array<i32>} : memref<256xi32, #tpu.memory_space<vmem>>, vector<16xi32>,
      %get3A_159 = vector.shape_cast %get3A_158 : vector<16xi32> to vector<16xi32>
      %add3A_160 = vector.broadcast %mul3A_15 : i32 to vector<16xi32>
      %add3A_161 = arith.addi %get3A_159, %add3A_160 : vector<16xi32>
      %swap3A_162 = arith.constant 80 : index
      %swap3A_163 = tpu.vector_load %arg9[%swap3A_162] {strides = array<i32>} : memref<128xi32, #tpu.memory_space<vmem>>, vector<16xi32>,
      %swap3A_164 = vector.shape_cast %swap3A_163 : vector<16xi32> to vector<16xi32>
      %swap3A_165 = vector.shape_cast %add3A_161 : vector<16xi32> to vector<16xi32>
      tpu.vector_store %arg9[%swap3A_162], %swap3A_165 {strides = array<i32>} : memref<128xi32, #tpu.memory_space<vmem>>, vector<16xi32>,
      %get3A_166 = arith.constant 208 : index
      %get3A_167 = tpu.vector_load %arg8[%get3A_166] {strides = array<i32>} : memref<256xi32, #tpu.memory_space<vmem>>, vector<16xi32>,
      %get3A_168 = vector.shape_cast %get3A_167 : vector<16xi32> to vector<16xi32>
      %swap3A_169 = arith.constant 80 : index
      %swap3A_170 = tpu.vector_load %arg11[%swap3A_169] {strides = array<i32>} : memref<128xi32, #tpu.memory_space<vmem>>, vector<16xi32>,
      %swap3A_171 = vector.shape_cast %swap3A_170 : vector<16xi32> to vector<16xi32>
      %swap3A_172 = vector.shape_cast %get3A_168 : vector<16xi32> to vector<16xi32>
      tpu.vector_store %arg11[%swap3A_169], %swap3A_172 {strides = array<i32>} : memref<128xi32, #tpu.memory_space<vmem>>, vector<16xi32>,
      %add3A_173 = vector.broadcast %mul3A_15 : i32 to vector<16xi32>
      %add3A_174 = arith.addi %get3A_168, %add3A_173 : vector<16xi32>
      %swap3A_175 = arith.constant 80 : index
      %swap3A_176 = tpu.vector_load %arg10[%swap3A_175] {strides = array<i32>} : memref<128xi32, #tpu.memory_space<vmem>>, vector<16xi32>,
      %swap3A_177 = vector.shape_cast %swap3A_176 : vector<16xi32> to vector<16xi32>
      %swap3A_178 = vector.shape_cast %add3A_174 : vector<16xi32> to vector<16xi32>
      tpu.vector_store %arg10[%swap3A_175], %swap3A_178 {strides = array<i32>} : memref<128xi32, #tpu.memory_space<vmem>>, vector<16xi32>,
      %get3A_179 = arith.constant 96 : index
      %get3A_180 = tpu.vector_load %arg8[%get3A_179] {strides = array<i32>} : memref<256xi32, #tpu.memory_space<vmem>>, vector<16xi32>,
      %get3A_181 = vector.shape_cast %get3A_180 : vector<16xi32> to vector<16xi32>
      %add3A_182 = vector.broadcast %mul3A_15 : i32 to vector<16xi32>
      %add3A_183 = arith.addi %get3A_181, %add3A_182 : vector<16xi32>
      %swap3A_184 = arith.constant 96 : index
      %swap3A_185 = tpu.vector_load %arg9[%swap3A_184] {strides = array<i32>} : memref<128xi32, #tpu.memory_space<vmem>>, vector<16xi32>,
      %swap3A_186 = vector.shape_cast %swap3A_185 : vector<16xi32> to vector<16xi32>
      %swap3A_187 = vector.shape_cast %add3A_183 : vector<16xi32> to vector<16xi32>
      tpu.vector_store %arg9[%swap3A_184], %swap3A_187 {strides = array<i32>} : memref<128xi32, #tpu.memory_space<vmem>>, vector<16xi32>,
      %get3A_188 = arith.constant 224 : index
      %get3A_189 = tpu.vector_load %arg8[%get3A_188] {strides = array<i32>} : memref<256xi32, #tpu.memory_space<vmem>>, vector<16xi32>,
      %get3A_190 = vector.shape_cast %get3A_189 : vector<16xi32> to vector<16xi32>
      %swap3A_191 = arith.constant 96 : index
      %swap3A_192 = tpu.vector_load %arg11[%swap3A_191] {strides = array<i32>} : memref<128xi32, #tpu.memory_space<vmem>>, vector<16xi32>,
      %swap3A_193 = vector.shape_cast %swap3A_192 : vector<16xi32> to vector<16xi32>
      %swap3A_194 = vector.shape_cast %get3A_190 : vector<16xi32> to vector<16xi32>
      tpu.vector_store %arg11[%swap3A_191], %swap3A_194 {strides = array<i32>} : memref<128xi32, #tpu.memory_space<vmem>>, vector<16xi32>,
      %add3A_195 = vector.broadcast %mul3A_15 : i32 to vector<16xi32>
      %add3A_196 = arith.addi %get3A_190, %add3A_195 : vector<16xi32>
      %swap3A_197 = arith.constant 96 : index
      %swap3A_198 = tpu.vector_load %arg10[%swap3A_197] {strides = array<i32>} : memref<128xi32, #tpu.memory_space<vmem>>, vector<16xi32>,
      %swap3A_199 = vector.shape_cast %swap3A_198 : vector<16xi32> to vector<16xi32>
      %swap3A_200 = vector.shape_cast %add3A_196 : vector<16xi32> to vector<16xi32>
      tpu.vector_store %arg10[%swap3A_197], %swap3A_200 {strides = array<i32>} : memref<128xi32, #tpu.memory_space<vmem>>, vector<16xi32>,
      %get3A_201 = arith.constant 112 : index
      %get3A_202 = tpu.vector_load %arg8[%get3A_201] {strides = array<i32>} : memref<256xi32, #tpu.memory_space<vmem>>, vector<16xi32>,
      %get3A_203 = vector.shape_cast %get3A_202 : vector<16xi32> to vector<16xi32>
      %add3A_204 = vector.broadcast %mul3A_15 : i32 to vector<16xi32>
      %add3A_205 = arith.addi %get3A_203, %add3A_204 : vector<16xi32>
      %swap3A_206 = arith.constant 112 : index
      %swap3A_207 = tpu.vector_load %arg9[%swap3A_206] {strides = array<i32>} : memref<128xi32, #tpu.memory_space<vmem>>, vector<16xi32>,
      %swap3A_208 = vector.shape_cast %swap3A_207 : vector<16xi32> to vector<16xi32>
      %swap3A_209 = vector.shape_cast %add3A_205 : vector<16xi32> to vector<16xi32>
      tpu.vector_store %arg9[%swap3A_206], %swap3A_209 {strides = array<i32>} : memref<128xi32, #tpu.memory_space<vmem>>, vector<16xi32>,
      %get3A_210 = arith.constant 240 : index
      %get3A_211 = tpu.vector_load %arg8[%get3A_210] {strides = array<i32>} : memref<256xi32, #tpu.memory_space<vmem>>, vector<16xi32>,
      %get3A_212 = vector.shape_cast %get3A_211 : vector<16xi32> to vector<16xi32>
      %swap3A_213 = arith.constant 112 : index
      %swap3A_214 = tpu.vector_load %arg11[%swap3A_213] {strides = array<i32>} : memref<128xi32, #tpu.memory_space<vmem>>, vector<16xi32>,
      %swap3A_215 = vector.shape_cast %swap3A_214 : vector<16xi32> to vector<16xi32>
      %swap3A_216 = vector.shape_cast %get3A_212 : vector<16xi32> to vector<16xi32>
      tpu.vector_store %arg11[%swap3A_213], %swap3A_216 {strides = array<i32>} : memref<128xi32, #tpu.memory_space<vmem>>, vector<16xi32>,
      %add3A_217 = vector.broadcast %mul3A_15 : i32 to vector<16xi32>
      %add3A_218 = arith.addi %get3A_212, %add3A_217 : vector<16xi32>
      %swap3A_219 = arith.constant 112 : index
      %swap3A_220 = tpu.vector_load %arg10[%swap3A_219] {strides = array<i32>} : memref<128xi32, #tpu.memory_space<vmem>>, vector<16xi32>,
      %swap3A_221 = vector.shape_cast %swap3A_220 : vector<16xi32> to vector<16xi32>
      %swap3A_222 = vector.shape_cast %add3A_218 : vector<16xi32> to vector<16xi32>
      tpu.vector_store %arg10[%swap3A_219], %swap3A_222 {strides = array<i32>} : memref<128xi32, #tpu.memory_space<vmem>>, vector<16xi32>,
      %dma_start3A = arith.constant 0 : i32
      %dma_start3A_223 = arith.constant 0 : i32
      %dma_start3A_224 = tpu.memref_slice %arg2[%dma_start3A, %dma_start3A_223] : memref<20000x128xf32, #tpu.memory_space<hbm>> -> memref<20000x128xf32, #tpu.memory_space<hbm>>
      tpu.enqueue_indirect_dma source(%dma_start3A_224 : memref<20000x128xf32, #tpu.memory_space<hbm>>) target(%arg12 : memref<128x128xf32, #tpu.memory_space<vmem>>) offsets(%arg9 : memref<128xi32, #tpu.memory_space<vmem>>) semaphore(%arg16 : memref<!tpu.dma_semaphore, #tpu.memory_space<semaphore_mem>>)
      %dma_start3A_225 = arith.constant 0 : i32
      %dma_start3A_226 = arith.constant 0 : i32
      %dma_start3A_227 = tpu.memref_slice %arg3[%dma_start3A_225, %dma_start3A_226] : memref<20000x128xf32, #tpu.memory_space<hbm>> -> memref<20000x128xf32, #tpu.memory_space<hbm>>
      tpu.enqueue_indirect_dma source(%dma_start3A_227 : memref<20000x128xf32, #tpu.memory_space<hbm>>) target(%arg13 : memref<128x128xf32, #tpu.memory_space<vmem>>) offsets(%arg9 : memref<128xi32, #tpu.memory_space<vmem>>) semaphore(%arg16 : memref<!tpu.dma_semaphore, #tpu.memory_space<semaphore_mem>>)
      %dma_start3A_228 = arith.constant 0 : i32
      %dma_start3A_229 = arith.constant 0 : i32
      %dma_start3A_230 = tpu.memref_slice %arg4[%dma_start3A_228, %dma_start3A_229] : memref<20000x128xf32, #tpu.memory_space<hbm>> -> memref<20000x128xf32, #tpu.memory_space<hbm>>
      tpu.enqueue_indirect_dma source(%dma_start3A_230 : memref<20000x128xf32, #tpu.memory_space<hbm>>) target(%arg14 : memref<128x128xf32, #tpu.memory_space<vmem>>) offsets(%arg10 : memref<128xi32, #tpu.memory_space<vmem>>) semaphore(%arg16 : memref<!tpu.dma_semaphore, #tpu.memory_space<semaphore_mem>>)
      %dma_wait3A = arith.constant 0 : i32
      %dma_wait3A_231 = arith.constant 0 : i32
      %dma_wait3A_232 = tpu.memref_slice %arg2[%dma_wait3A, %dma_wait3A_231] : memref<20000x128xf32, #tpu.memory_space<hbm>> -> memref<20000x128xf32, #tpu.memory_space<hbm>>
      tpu.wait_indirect_dma semaphore(%arg16 : memref<!tpu.dma_semaphore, #tpu.memory_space<semaphore_mem>>) src(%dma_wait3A_232 : memref<20000x128xf32, #tpu.memory_space<hbm>>) dst(%arg12 : memref<128x128xf32, #tpu.memory_space<vmem>>)
      %dma_wait3A_233 = arith.constant 0 : i32
      %dma_wait3A_234 = arith.constant 0 : i32
      %dma_wait3A_235 = tpu.memref_slice %arg3[%dma_wait3A_233, %dma_wait3A_234] : memref<20000x128xf32, #tpu.memory_space<hbm>> -> memref<20000x128xf32, #tpu.memory_space<hbm>>
      tpu.wait_indirect_dma semaphore(%arg16 : memref<!tpu.dma_semaphore, #tpu.memory_space<semaphore_mem>>) src(%dma_wait3A_235 : memref<20000x128xf32, #tpu.memory_space<hbm>>) dst(%arg13 : memref<128x128xf32, #tpu.memory_space<vmem>>)
      %dma_wait3A_236 = arith.constant 0 : i32
      %dma_wait3A_237 = arith.constant 0 : i32
      %dma_wait3A_238 = tpu.memref_slice %arg4[%dma_wait3A_236, %dma_wait3A_237] : memref<20000x128xf32, #tpu.memory_space<hbm>> -> memref<20000x128xf32, #tpu.memory_space<hbm>>
      tpu.wait_indirect_dma semaphore(%arg16 : memref<!tpu.dma_semaphore, #tpu.memory_space<semaphore_mem>>) src(%dma_wait3A_238 : memref<20000x128xf32, #tpu.memory_space<hbm>>) dst(%arg14 : memref<128x128xf32, #tpu.memory_space<vmem>>)
      %scan3A = arith.constant 0 : i32
      %scan3A_239 = arith.constant 128 : i32
      %scan3A_240 = arith.addi %scan3A, %scan3A_239 : i32
      %scan3A_241 = arith.constant 1 : i32
      scf.for %scan3A_243 = %scan3A to %scan3A_240 step %scan3A_241  : i32 {
        %mul3A_244 = arith.constant 1 : i32
        %mul3A_245 = arith.muli %scan3A_243, %mul3A_244 : i32
        %add3A_246 = arith.constant 0 : i32
        %add3A_247 = arith.addi %add3A_246, %mul3A_245 : i32
        %get3A_248 = arith.index_cast %add3A_247 : i32 to index
        %get3A_249 = arith.constant 0 : index
        %get3A_250 = tpu.vector_load %arg12[%get3A_248, %get3A_249] {strides = array<i32>} : memref<128x128xf32, #tpu.memory_space<vmem>>, vector<1x16xf32>,
        %get3A_251 = vector.shape_cast %get3A_250 : vector<1x16xf32> to vector<16xf32>
        %get3A_252 = arith.index_cast %add3A_247 : i32 to index
        %get3A_253 = arith.constant 0 : index
        %get3A_254 = tpu.vector_load %arg14[%get3A_252, %get3A_253] {strides = array<i32>} : memref<128x128xf32, #tpu.memory_space<vmem>>, vector<1x16xf32>,
        %get3A_255 = vector.shape_cast %get3A_254 : vector<1x16xf32> to vector<16xf32>
        %add3A_256 = arith.addf %get3A_251, %get3A_255 : vector<16xf32>
        %get3A_257 = arith.index_cast %add3A_247 : i32 to index
        %get3A_258 = arith.constant 0 : index
        %get3A_259 = tpu.vector_load %arg13[%get3A_257, %get3A_258] {strides = array<i32>} : memref<128x128xf32, #tpu.memory_space<vmem>>, vector<1x16xf32>,
        %get3A_260 = vector.shape_cast %get3A_259 : vector<1x16xf32> to vector<16xf32>
        %neg3A = arith.constant 0.000000e+00 : f32
        %neg3A_261 = vector.broadcast %neg3A : f32 to vector<16xf32>
        %neg3A_262 = arith.subf %neg3A_261, %add3A_256 : vector<16xf32>
        %exp3A = math.exp %neg3A_262 : vector<16xf32>
        %add3A_263 = arith.constant 1.000000e+00 : f32
        %add3A_264 = vector.broadcast %add3A_263 : f32 to vector<16xf32>
        %add3A_265 = arith.addf %add3A_264, %exp3A : vector<16xf32>
        %div3A_266 = arith.divf %get3A_260, %add3A_265 : vector<16xf32>
        %swap3A_267 = arith.index_cast %add3A_247 : i32 to index
        %swap3A_268 = arith.constant 0 : index
        %swap3A_269 = tpu.vector_load %arg12[%swap3A_267, %swap3A_268] {strides = array<i32>} : memref<128x128xf32, #tpu.memory_space<vmem>>, vector<1x16xf32>,
        %swap3A_270 = vector.shape_cast %swap3A_269 : vector<1x16xf32> to vector<16xf32>
        %swap3A_271 = vector.shape_cast %div3A_266 : vector<16xf32> to vector<1x16xf32>
        tpu.vector_store %arg12[%swap3A_267, %swap3A_268], %swap3A_271 {strides = array<i32>} : memref<128x128xf32, #tpu.memory_space<vmem>>, vector<1x16xf32>,
        %get3A_272 = arith.index_cast %add3A_247 : i32 to index
        %get3A_273 = arith.constant 16 : index
        %get3A_274 = tpu.vector_load %arg12[%get3A_272, %get3A_273] {strides = array<i32>} : memref<128x128xf32, #tpu.memory_space<vmem>>, vector<1x16xf32>,
        %get3A_275 = vector.shape_cast %get3A_274 : vector<1x16xf32> to vector<16xf32>
        %get3A_276 = arith.index_cast %add3A_247 : i32 to index
        %get3A_277 = arith.constant 16 : index
        %get3A_278 = tpu.vector_load %arg14[%get3A_276, %get3A_277] {strides = array<i32>} : memref<128x128xf32, #tpu.memory_space<vmem>>, vector<1x16xf32>,
        %get3A_279 = vector.shape_cast %get3A_278 : vector<1x16xf32> to vector<16xf32>
        %add3A_280 = arith.addf %get3A_275, %get3A_279 : vector<16xf32>
        %get3A_281 = arith.index_cast %add3A_247 : i32 to index
        %get3A_282 = arith.constant 16 : index
        %get3A_283 = tpu.vector_load %arg13[%get3A_281, %get3A_282] {strides = array<i32>} : memref<128x128xf32, #tpu.memory_space<vmem>>, vector<1x16xf32>,
        %get3A_284 = vector.shape_cast %get3A_283 : vector<1x16xf32> to vector<16xf32>
        %neg3A_285 = arith.constant 0.000000e+00 : f32
        %neg3A_286 = vector.broadcast %neg3A_285 : f32 to vector<16xf32>
        %neg3A_287 = arith.subf %neg3A_286, %add3A_280 : vector<16xf32>
        %exp3A_288 = math.exp %neg3A_287 : vector<16xf32>
        %add3A_289 = arith.constant 1.000000e+00 : f32
        %add3A_290 = vector.broadcast %add3A_289 : f32 to vector<16xf32>
        %add3A_291 = arith.addf %add3A_290, %exp3A_288 : vector<16xf32>
        %div3A_292 = arith.divf %get3A_284, %add3A_291 : vector<16xf32>
        %swap3A_293 = arith.index_cast %add3A_247 : i32 to index
        %swap3A_294 = arith.constant 16 : index
        %swap3A_295 = tpu.vector_load %arg12[%swap3A_293, %swap3A_294] {strides = array<i32>} : memref<128x128xf32, #tpu.memory_space<vmem>>, vector<1x16xf32>,
        %swap3A_296 = vector.shape_cast %swap3A_295 : vector<1x16xf32> to vector<16xf32>
        %swap3A_297 = vector.shape_cast %div3A_292 : vector<16xf32> to vector<1x16xf32>
        tpu.vector_store %arg12[%swap3A_293, %swap3A_294], %swap3A_297 {strides = array<i32>} : memref<128x128xf32, #tpu.memory_space<vmem>>, vector<1x16xf32>,
        %get3A_298 = arith.index_cast %add3A_247 : i32 to index
        %get3A_299 = arith.constant 32 : index
        %get3A_300 = tpu.vector_load %arg12[%get3A_298, %get3A_299] {strides = array<i32>} : memref<128x128xf32, #tpu.memory_space<vmem>>, vector<1x16xf32>,
        %get3A_301 = vector.shape_cast %get3A_300 : vector<1x16xf32> to vector<16xf32>
        %get3A_302 = arith.index_cast %add3A_247 : i32 to index
        %get3A_303 = arith.constant 32 : index
        %get3A_304 = tpu.vector_load %arg14[%get3A_302, %get3A_303] {strides = array<i32>} : memref<128x128xf32, #tpu.memory_space<vmem>>, vector<1x16xf32>,
        %get3A_305 = vector.shape_cast %get3A_304 : vector<1x16xf32> to vector<16xf32>
        %add3A_306 = arith.addf %get3A_301, %get3A_305 : vector<16xf32>
        %get3A_307 = arith.index_cast %add3A_247 : i32 to index
        %get3A_308 = arith.constant 32 : index
        %get3A_309 = tpu.vector_load %arg13[%get3A_307, %get3A_308] {strides = array<i32>} : memref<128x128xf32, #tpu.memory_space<vmem>>, vector<1x16xf32>,
        %get3A_310 = vector.shape_cast %get3A_309 : vector<1x16xf32> to vector<16xf32>
        %neg3A_311 = arith.constant 0.000000e+00 : f32
        %neg3A_312 = vector.broadcast %neg3A_311 : f32 to vector<16xf32>
        %neg3A_313 = arith.subf %neg3A_312, %add3A_306 : vector<16xf32>
        %exp3A_314 = math.exp %neg3A_313 : vector<16xf32>
        %add3A_315 = arith.constant 1.000000e+00 : f32
        %add3A_316 = vector.broadcast %add3A_315 : f32 to vector<16xf32>
        %add3A_317 = arith.addf %add3A_316, %exp3A_314 : vector<16xf32>
        %div3A_318 = arith.divf %get3A_310, %add3A_317 : vector<16xf32>
        %swap3A_319 = arith.index_cast %add3A_247 : i32 to index
        %swap3A_320 = arith.constant 32 : index
        %swap3A_321 = tpu.vector_load %arg12[%swap3A_319, %swap3A_320] {strides = array<i32>} : memref<128x128xf32, #tpu.memory_space<vmem>>, vector<1x16xf32>,
        %swap3A_322 = vector.shape_cast %swap3A_321 : vector<1x16xf32> to vector<16xf32>
        %swap3A_323 = vector.shape_cast %div3A_318 : vector<16xf32> to vector<1x16xf32>
        tpu.vector_store %arg12[%swap3A_319, %swap3A_320], %swap3A_323 {strides = array<i32>} : memref<128x128xf32, #tpu.memory_space<vmem>>, vector<1x16xf32>,
        %get3A_324 = arith.index_cast %add3A_247 : i32 to index
        %get3A_325 = arith.constant 48 : index
        %get3A_326 = tpu.vector_load %arg12[%get3A_324, %get3A_325] {strides = array<i32>} : memref<128x128xf32, #tpu.memory_space<vmem>>, vector<1x16xf32>,
        %get3A_327 = vector.shape_cast %get3A_326 : vector<1x16xf32> to vector<16xf32>
        %get3A_328 = arith.index_cast %add3A_247 : i32 to index
        %get3A_329 = arith.constant 48 : index
        %get3A_330 = tpu.vector_load %arg14[%get3A_328, %get3A_329] {strides = array<i32>} : memref<128x128xf32, #tpu.memory_space<vmem>>, vector<1x16xf32>,
        %get3A_331 = vector.shape_cast %get3A_330 : vector<1x16xf32> to vector<16xf32>
        %add3A_332 = arith.addf %get3A_327, %get3A_331 : vector<16xf32>
        %get3A_333 = arith.index_cast %add3A_247 : i32 to index
        %get3A_334 = arith.constant 48 : index
        %get3A_335 = tpu.vector_load %arg13[%get3A_333, %get3A_334] {strides = array<i32>} : memref<128x128xf32, #tpu.memory_space<vmem>>, vector<1x16xf32>,
        %get3A_336 = vector.shape_cast %get3A_335 : vector<1x16xf32> to vector<16xf32>
        %neg3A_337 = arith.constant 0.000000e+00 : f32
        %neg3A_338 = vector.broadcast %neg3A_337 : f32 to vector<16xf32>
        %neg3A_339 = arith.subf %neg3A_338, %add3A_332 : vector<16xf32>
        %exp3A_340 = math.exp %neg3A_339 : vector<16xf32>
        %add3A_341 = arith.constant 1.000000e+00 : f32
        %add3A_342 = vector.broadcast %add3A_341 : f32 to vector<16xf32>
        %add3A_343 = arith.addf %add3A_342, %exp3A_340 : vector<16xf32>
        %div3A_344 = arith.divf %get3A_336, %add3A_343 : vector<16xf32>
        %swap3A_345 = arith.index_cast %add3A_247 : i32 to index
        %swap3A_346 = arith.constant 48 : index
        %swap3A_347 = tpu.vector_load %arg12[%swap3A_345, %swap3A_346] {strides = array<i32>} : memref<128x128xf32, #tpu.memory_space<vmem>>, vector<1x16xf32>,
        %swap3A_348 = vector.shape_cast %swap3A_347 : vector<1x16xf32> to vector<16xf32>
        %swap3A_349 = vector.shape_cast %div3A_344 : vector<16xf32> to vector<1x16xf32>
        tpu.vector_store %arg12[%swap3A_345, %swap3A_346], %swap3A_349 {strides = array<i32>} : memref<128x128xf32, #tpu.memory_space<vmem>>, vector<1x16xf32>,
        %get3A_350 = arith.index_cast %add3A_247 : i32 to index
        %get3A_351 = arith.constant 64 : index
        %get3A_352 = tpu.vector_load %arg12[%get3A_350, %get3A_351] {strides = array<i32>} : memref<128x128xf32, #tpu.memory_space<vmem>>, vector<1x16xf32>,
        %get3A_353 = vector.shape_cast %get3A_352 : vector<1x16xf32> to vector<16xf32>
        %get3A_354 = arith.index_cast %add3A_247 : i32 to index
        %get3A_355 = arith.constant 64 : index
        %get3A_356 = tpu.vector_load %arg14[%get3A_354, %get3A_355] {strides = array<i32>} : memref<128x128xf32, #tpu.memory_space<vmem>>, vector<1x16xf32>,
        %get3A_357 = vector.shape_cast %get3A_356 : vector<1x16xf32> to vector<16xf32>
        %add3A_358 = arith.addf %get3A_353, %get3A_357 : vector<16xf32>
        %get3A_359 = arith.index_cast %add3A_247 : i32 to index
        %get3A_360 = arith.constant 64 : index
        %get3A_361 = tpu.vector_load %arg13[%get3A_359, %get3A_360] {strides = array<i32>} : memref<128x128xf32, #tpu.memory_space<vmem>>, vector<1x16xf32>,
        %get3A_362 = vector.shape_cast %get3A_361 : vector<1x16xf32> to vector<16xf32>
        %neg3A_363 = arith.constant 0.000000e+00 : f32
        %neg3A_364 = vector.broadcast %neg3A_363 : f32 to vector<16xf32>
        %neg3A_365 = arith.subf %neg3A_364, %add3A_358 : vector<16xf32>
        %exp3A_366 = math.exp %neg3A_365 : vector<16xf32>
        %add3A_367 = arith.constant 1.000000e+00 : f32
        %add3A_368 = vector.broadcast %add3A_367 : f32 to vector<16xf32>
        %add3A_369 = arith.addf %add3A_368, %exp3A_366 : vector<16xf32>
        %div3A_370 = arith.divf %get3A_362, %add3A_369 : vector<16xf32>
        %swap3A_371 = arith.index_cast %add3A_247 : i32 to index
        %swap3A_372 = arith.constant 64 : index
        %swap3A_373 = tpu.vector_load %arg12[%swap3A_371, %swap3A_372] {strides = array<i32>} : memref<128x128xf32, #tpu.memory_space<vmem>>, vector<1x16xf32>,
        %swap3A_374 = vector.shape_cast %swap3A_373 : vector<1x16xf32> to vector<16xf32>
        %swap3A_375 = vector.shape_cast %div3A_370 : vector<16xf32> to vector<1x16xf32>
        tpu.vector_store %arg12[%swap3A_371, %swap3A_372], %swap3A_375 {strides = array<i32>} : memref<128x128xf32, #tpu.memory_space<vmem>>, vector<1x16xf32>,
        %get3A_376 = arith.index_cast %add3A_247 : i32 to index
        %get3A_377 = arith.constant 80 : index
        %get3A_378 = tpu.vector_load %arg12[%get3A_376, %get3A_377] {strides = array<i32>} : memref<128x128xf32, #tpu.memory_space<vmem>>, vector<1x16xf32>,
        %get3A_379 = vector.shape_cast %get3A_378 : vector<1x16xf32> to vector<16xf32>
        %get3A_380 = arith.index_cast %add3A_247 : i32 to index
        %get3A_381 = arith.constant 80 : index
        %get3A_382 = tpu.vector_load %arg14[%get3A_380, %get3A_381] {strides = array<i32>} : memref<128x128xf32, #tpu.memory_space<vmem>>, vector<1x16xf32>,
        %get3A_383 = vector.shape_cast %get3A_382 : vector<1x16xf32> to vector<16xf32>
        %add3A_384 = arith.addf %get3A_379, %get3A_383 : vector<16xf32>
        %get3A_385 = arith.index_cast %add3A_247 : i32 to index
        %get3A_386 = arith.constant 80 : index
        %get3A_387 = tpu.vector_load %arg13[%get3A_385, %get3A_386] {strides = array<i32>} : memref<128x128xf32, #tpu.memory_space<vmem>>, vector<1x16xf32>,
        %get3A_388 = vector.shape_cast %get3A_387 : vector<1x16xf32> to vector<16xf32>
        %neg3A_389 = arith.constant 0.000000e+00 : f32
        %neg3A_390 = vector.broadcast %neg3A_389 : f32 to vector<16xf32>
        %neg3A_391 = arith.subf %neg3A_390, %add3A_384 : vector<16xf32>
        %exp3A_392 = math.exp %neg3A_391 : vector<16xf32>
        %add3A_393 = arith.constant 1.000000e+00 : f32
        %add3A_394 = vector.broadcast %add3A_393 : f32 to vector<16xf32>
        %add3A_395 = arith.addf %add3A_394, %exp3A_392 : vector<16xf32>
        %div3A_396 = arith.divf %get3A_388, %add3A_395 : vector<16xf32>
        %swap3A_397 = arith.index_cast %add3A_247 : i32 to index
        %swap3A_398 = arith.constant 80 : index
        %swap3A_399 = tpu.vector_load %arg12[%swap3A_397, %swap3A_398] {strides = array<i32>} : memref<128x128xf32, #tpu.memory_space<vmem>>, vector<1x16xf32>,
        %swap3A_400 = vector.shape_cast %swap3A_399 : vector<1x16xf32> to vector<16xf32>
        %swap3A_401 = vector.shape_cast %div3A_396 : vector<16xf32> to vector<1x16xf32>
        tpu.vector_store %arg12[%swap3A_397, %swap3A_398], %swap3A_401 {strides = array<i32>} : memref<128x128xf32, #tpu.memory_space<vmem>>, vector<1x16xf32>,
        %get3A_402 = arith.index_cast %add3A_247 : i32 to index
        %get3A_403 = arith.constant 96 : index
        %get3A_404 = tpu.vector_load %arg12[%get3A_402, %get3A_403] {strides = array<i32>} : memref<128x128xf32, #tpu.memory_space<vmem>>, vector<1x16xf32>,
        %get3A_405 = vector.shape_cast %get3A_404 : vector<1x16xf32> to vector<16xf32>
        %get3A_406 = arith.index_cast %add3A_247 : i32 to index
        %get3A_407 = arith.constant 96 : index
        %get3A_408 = tpu.vector_load %arg14[%get3A_406, %get3A_407] {strides = array<i32>} : memref<128x128xf32, #tpu.memory_space<vmem>>, vector<1x16xf32>,
        %get3A_409 = vector.shape_cast %get3A_408 : vector<1x16xf32> to vector<16xf32>
        %add3A_410 = arith.addf %get3A_405, %get3A_409 : vector<16xf32>
        %get3A_411 = arith.index_cast %add3A_247 : i32 to index
        %get3A_412 = arith.constant 96 : index
        %get3A_413 = tpu.vector_load %arg13[%get3A_411, %get3A_412] {strides = array<i32>} : memref<128x128xf32, #tpu.memory_space<vmem>>, vector<1x16xf32>,
        %get3A_414 = vector.shape_cast %get3A_413 : vector<1x16xf32> to vector<16xf32>
        %neg3A_415 = arith.constant 0.000000e+00 : f32
        %neg3A_416 = vector.broadcast %neg3A_415 : f32 to vector<16xf32>
        %neg3A_417 = arith.subf %neg3A_416, %add3A_410 : vector<16xf32>
        %exp3A_418 = math.exp %neg3A_417 : vector<16xf32>
        %add3A_419 = arith.constant 1.000000e+00 : f32
        %add3A_420 = vector.broadcast %add3A_419 : f32 to vector<16xf32>
        %add3A_421 = arith.addf %add3A_420, %exp3A_418 : vector<16xf32>
        %div3A_422 = arith.divf %get3A_414, %add3A_421 : vector<16xf32>
        %swap3A_423 = arith.index_cast %add3A_247 : i32 to index
        %swap3A_424 = arith.constant 96 : index
        %swap3A_425 = tpu.vector_load %arg12[%swap3A_423, %swap3A_424] {strides = array<i32>} : memref<128x128xf32, #tpu.memory_space<vmem>>, vector<1x16xf32>,
        %swap3A_426 = vector.shape_cast %swap3A_425 : vector<1x16xf32> to vector<16xf32>
        %swap3A_427 = vector.shape_cast %div3A_422 : vector<16xf32> to vector<1x16xf32>
        tpu.vector_store %arg12[%swap3A_423, %swap3A_424], %swap3A_427 {strides = array<i32>} : memref<128x128xf32, #tpu.memory_space<vmem>>, vector<1x16xf32>,
        %get3A_428 = arith.index_cast %add3A_247 : i32 to index
        %get3A_429 = arith.constant 112 : index
        %get3A_430 = tpu.vector_load %arg12[%get3A_428, %get3A_429] {strides = array<i32>} : memref<128x128xf32, #tpu.memory_space<vmem>>, vector<1x16xf32>,
        %get3A_431 = vector.shape_cast %get3A_430 : vector<1x16xf32> to vector<16xf32>
        %get3A_432 = arith.index_cast %add3A_247 : i32 to index
        %get3A_433 = arith.constant 112 : index
        %get3A_434 = tpu.vector_load %arg14[%get3A_432, %get3A_433] {strides = array<i32>} : memref<128x128xf32, #tpu.memory_space<vmem>>, vector<1x16xf32>,
        %get3A_435 = vector.shape_cast %get3A_434 : vector<1x16xf32> to vector<16xf32>
        %add3A_436 = arith.addf %get3A_431, %get3A_435 : vector<16xf32>
        %get3A_437 = arith.index_cast %add3A_247 : i32 to index
        %get3A_438 = arith.constant 112 : index
        %get3A_439 = tpu.vector_load %arg13[%get3A_437, %get3A_438] {strides = array<i32>} : memref<128x128xf32, #tpu.memory_space<vmem>>, vector<1x16xf32>,
        %get3A_440 = vector.shape_cast %get3A_439 : vector<1x16xf32> to vector<16xf32>
        %neg3A_441 = arith.constant 0.000000e+00 : f32
        %neg3A_442 = vector.broadcast %neg3A_441 : f32 to vector<16xf32>
        %neg3A_443 = arith.subf %neg3A_442, %add3A_436 : vector<16xf32>
        %exp3A_444 = math.exp %neg3A_443 : vector<16xf32>
        %add3A_445 = arith.constant 1.000000e+00 : f32
        %add3A_446 = vector.broadcast %add3A_445 : f32 to vector<16xf32>
        %add3A_447 = arith.addf %add3A_446, %exp3A_444 : vector<16xf32>
        %div3A_448 = arith.divf %get3A_440, %add3A_447 : vector<16xf32>
        %swap3A_449 = arith.index_cast %add3A_247 : i32 to index
        %swap3A_450 = arith.constant 112 : index
        %swap3A_451 = tpu.vector_load %arg12[%swap3A_449, %swap3A_450] {strides = array<i32>} : memref<128x128xf32, #tpu.memory_space<vmem>>, vector<1x16xf32>,
        %swap3A_452 = vector.shape_cast %swap3A_451 : vector<1x16xf32> to vector<16xf32>
        %swap3A_453 = vector.shape_cast %div3A_448 : vector<16xf32> to vector<1x16xf32>
        tpu.vector_store %arg12[%swap3A_449, %swap3A_450], %swap3A_453 {strides = array<i32>} : memref<128x128xf32, #tpu.memory_space<vmem>>, vector<1x16xf32>,
      }
      %scan3A_242 = arith.constant 128 : i32
      "tpu.region"() ({
        %run_scoped3A = tpu.sem_alloc : memref<!tpu.dma_semaphore, #tpu.memory_space<semaphore_mem>>
        %dma_start3A_243 = arith.constant 0 : i32
        %dma_start3A_244 = arith.constant 0 : i32
        %dma_start3A_245 = tpu.memref_slice %arg15[%dma_start3A_243, %dma_start3A_244] : memref<10000x128xf32, #tpu.memory_space<vmem_shared>> -> memref<10000x128xf32, #tpu.memory_space<vmem_shared>>
        tpu.enqueue_indirect_dma source(%arg12 : memref<128x128xf32, #tpu.memory_space<vmem>>) target(%dma_start3A_245 : memref<10000x128xf32, #tpu.memory_space<vmem_shared>>) offsets(%arg11 : memref<128xi32, #tpu.memory_space<vmem>>) semaphore(%run_scoped3A : memref<!tpu.dma_semaphore, #tpu.memory_space<semaphore_mem>>) {add = true}
        %dma_wait3A_246 = arith.constant 0 : i32
        %dma_wait3A_247 = arith.constant 0 : i32
        %dma_wait3A_248 = tpu.memref_slice %arg15[%dma_wait3A_246, %dma_wait3A_247] : memref<10000x128xf32, #tpu.memory_space<vmem_shared>> -> memref<10000x128xf32, #tpu.memory_space<vmem_shared>>
        tpu.wait_indirect_dma semaphore(%run_scoped3A : memref<!tpu.dma_semaphore, #tpu.memory_space<semaphore_mem>>) src(%arg12 : memref<128x128xf32, #tpu.memory_space<vmem>>) dst(%dma_wait3A_248 : memref<10000x128xf32, #tpu.memory_space<vmem_shared>>)
        tpu.yield
      }) : () -> ()
    }
    %barrier3A_32 = arith.constant 0 : index
    tpu.barrier barrier_id(%barrier3A_32)
    %mul3A_33 = arith.constant 10000 : i32
    %mul3A_34 = arith.muli %arg0, %mul3A_33 : i32
    %add3A_35 = arith.addi %mul3A_34, %mul3A_0 : i32
    "tpu.region"() ({
      %run_scoped3A = tpu.sem_alloc : memref<!tpu.dma_semaphore, #tpu.memory_space<semaphore_mem>>
      %dma_start3A = arith.constant 0 : i32
      %dma_start3A_41 = tpu.memref_slice %arg7[%add3A_35, %dma_start3A] : memref<20000x128xf32, #tpu.memory_space<hbm>> -> memref<624x128xf32, #tpu.memory_space<hbm>>
      %dma_start3A_42 = arith.constant 0 : i32
      %dma_start3A_43 = tpu.memref_slice %arg15[%mul3A_0, %dma_start3A_42] : memref<10000x128xf32, #tpu.memory_space<vmem_shared>> -> memref<624x128xf32, #tpu.memory_space<vmem_shared>>
      tpu.enqueue_dma source(%dma_start3A_43 : memref<624x128xf32, #tpu.memory_space<vmem_shared>>) target(%dma_start3A_41 : memref<624x128xf32, #tpu.memory_space<hbm>>) target_semaphore(%run_scoped3A : memref<!tpu.dma_semaphore, #tpu.memory_space<semaphore_mem>>)
      %dma_wait3A = arith.constant 0 : i32
      %dma_wait3A_44 = tpu.memref_slice %arg7[%add3A_35, %dma_wait3A] : memref<20000x128xf32, #tpu.memory_space<hbm>> -> memref<624x128xf32, #tpu.memory_space<hbm>>
      %dma_wait3A_45 = arith.constant 0 : i32
      %dma_wait3A_46 = tpu.memref_slice %arg15[%mul3A_0, %dma_wait3A_45] : memref<10000x128xf32, #tpu.memory_space<vmem_shared>> -> memref<624x128xf32, #tpu.memory_space<vmem_shared>>
      tpu.wait_dma2 semaphore(%run_scoped3A : memref<!tpu.dma_semaphore, #tpu.memory_space<semaphore_mem>>) src(%dma_wait3A_46 : memref<624x128xf32, #tpu.memory_space<vmem_shared>>) dst(%dma_wait3A_44 : memref<624x128xf32, #tpu.memory_space<hbm>>)
      tpu.yield
    }) : () -> ()
    %eq3A_36 = arith.constant 15 : i32
    %eq3A_37 = arith.cmpi eq, %arg1, %eq3A_36 : i32
    %convert_element_type3A_38 = arith.extui %eq3A_37 : i1 to i32
    %cond3A_39 = arith.constant 0 : i32
    %cond3A_40 = arith.cmpi ne, %convert_element_type3A_38, %cond3A_39 : i32
    scf.if %cond3A_40 {
      %mul3A_41 = arith.constant 10000 : i32
      %mul3A_42 = arith.muli %arg0, %mul3A_41 : i32
      %add3A_43 = arith.constant 9984 : i32
      %add3A_44 = arith.addi %mul3A_42, %add3A_43 : i32
      "tpu.region"() ({
        %run_scoped3A = tpu.sem_alloc : memref<!tpu.dma_semaphore, #tpu.memory_space<semaphore_mem>>
        %dma_start3A = arith.constant 0 : i32
        %dma_start3A_45 = tpu.memref_slice %arg7[%add3A_44, %dma_start3A] : memref<20000x128xf32, #tpu.memory_space<hbm>> -> memref<16x128xf32, #tpu.memory_space<hbm>>
        %dma_start3A_46 = arith.constant 9984 : i32
        %dma_start3A_47 = arith.constant 0 : i32
        %dma_start3A_48 = tpu.memref_slice %arg15[%dma_start3A_46, %dma_start3A_47] : memref<10000x128xf32, #tpu.memory_space<vmem_shared>> -> memref<16x128xf32, #tpu.memory_space<vmem_shared>>
        tpu.enqueue_dma source(%dma_start3A_48 : memref<16x128xf32, #tpu.memory_space<vmem_shared>>) target(%dma_start3A_45 : memref<16x128xf32, #tpu.memory_space<hbm>>) target_semaphore(%run_scoped3A : memref<!tpu.dma_semaphore, #tpu.memory_space<semaphore_mem>>)
        %dma_wait3A = arith.constant 0 : i32
        %dma_wait3A_49 = tpu.memref_slice %arg7[%add3A_44, %dma_wait3A] : memref<20000x128xf32, #tpu.memory_space<hbm>> -> memref<16x128xf32, #tpu.memory_space<hbm>>
        %dma_wait3A_50 = arith.constant 9984 : i32
        %dma_wait3A_51 = arith.constant 0 : i32
        %dma_wait3A_52 = tpu.memref_slice %arg15[%dma_wait3A_50, %dma_wait3A_51] : memref<10000x128xf32, #tpu.memory_space<vmem_shared>> -> memref<16x128xf32, #tpu.memory_space<vmem_shared>>
        tpu.wait_dma2 semaphore(%run_scoped3A : memref<!tpu.dma_semaphore, #tpu.memory_space<semaphore_mem>>) src(%dma_wait3A_52 : memref<16x128xf32, #tpu.memory_space<vmem_shared>>) dst(%dma_wait3A_49 : memref<16x128xf32, #tpu.memory_space<hbm>>)
        tpu.yield
      }) : () -> ()
    } else {
    }
    return
  }
}

module attributes {stable_mosaic.version = 14 : i64} {
  func.func @_node_tables_body(%arg0: i32, %arg1: i32, %arg2: memref<1x1000x128xf32, #tpu.memory_space<vmem>>, %arg3: memref<2x128x128xf32, #tpu.memory_space<vmem>>, %arg4: memref<2x128xf32, #tpu.memory_space<vmem>>, %arg5: memref<4x128x128xf32, #tpu.memory_space<vmem>>, %arg6: memref<4x128xf32, #tpu.memory_space<vmem>>, %arg7: memref<4x128x128xf32, #tpu.memory_space<vmem>>, %arg8: memref<4x128xf32, #tpu.memory_space<vmem>>, %arg9: memref<4x128x128xf32, #tpu.memory_space<vmem>>, %arg10: memref<4x128xf32, #tpu.memory_space<vmem>>, %arg11: memref<4x256x128xf32, #tpu.memory_space<vmem>>, %arg12: memref<4x128xf32, #tpu.memory_space<vmem>>, %arg13: memref<4x128xf32, #tpu.memory_space<vmem>>, %arg14: memref<1x1000x128xf32, #tpu.memory_space<vmem>>, %arg15: memref<1x1000x128xf32, #tpu.memory_space<vmem>>, %arg16: memref<1x1000x128xf32, #tpu.memory_space<vmem>>, %arg17: memref<1x1000x128xf32, #tpu.memory_space<vmem>>) attributes {dimension_semantics = [#tpu.dimension_semantics<arbitrary>, #tpu.dimension_semantics<arbitrary>], iteration_bounds = array<i64: 2, 10>, scalar_prefetch = 0 : i64, scratch_operands = 0 : i64, tpu.core_type = #tpu.core_type<tc>, window_params = [{transform_indices = @transform_0, window_bounds = array<i64: 1, 1000, 128>}, {pipeline_mode = #tpu.pipeline_mode<synchronous>, transform_indices = @transform_1, window_bounds = array<i64: 2, 128, 128>}, {pipeline_mode = #tpu.pipeline_mode<synchronous>, transform_indices = @transform_2, window_bounds = array<i64: 2, 128>}, {pipeline_mode = #tpu.pipeline_mode<synchronous>, transform_indices = @transform_3, window_bounds = array<i64: 4, 128, 128>}, {pipeline_mode = #tpu.pipeline_mode<synchronous>, transform_indices = @transform_4, window_bounds = array<i64: 4, 128>}, {pipeline_mode = #tpu.pipeline_mode<synchronous>, transform_indices = @transform_5, window_bounds = array<i64: 4, 128, 128>}, {pipeline_mode = #tpu.pipeline_mode<synchronous>, transform_indices = @transform_6, window_bounds = array<i64: 4, 128>}, {pipeline_mode = #tpu.pipeline_mode<synchronous>, transform_indices = @transform_7, window_bounds = array<i64: 4, 128, 128>}, {pipeline_mode = #tpu.pipeline_mode<synchronous>, transform_indices = @transform_8, window_bounds = array<i64: 4, 128>}, {pipeline_mode = #tpu.pipeline_mode<synchronous>, transform_indices = @transform_9, window_bounds = array<i64: 4, 256, 128>}, {pipeline_mode = #tpu.pipeline_mode<synchronous>, transform_indices = @transform_10, window_bounds = array<i64: 4, 128>}, {pipeline_mode = #tpu.pipeline_mode<synchronous>, transform_indices = @transform_11, window_bounds = array<i64: 4, 128>}, {transform_indices = @transform_12, window_bounds = array<i64: 1, 1000, 128>}, {transform_indices = @transform_13, window_bounds = array<i64: 1, 1000, 128>}, {transform_indices = @transform_14, window_bounds = array<i64: 1, 1000, 128>}, {transform_indices = @transform_15, window_bounds = array<i64: 1, 1000, 128>}]} {
    %sub3A = arith.constant 1 : i32
    %sub3A_0 = arith.subi %sub3A, %arg0 : i32
    %add3A = arith.constant 2 : i32
    %add3A_1 = arith.addi %add3A, %arg0 : i32
    %get3A = arith.constant 0 : index
    %get3A_2 = arith.constant 0 : index
    %get3A_3 = arith.constant 0 : index
    %get3A_4 = vector.load %arg2[%get3A, %get3A_2, %get3A_3] : memref<1x1000x128xf32, #tpu.memory_space<vmem>>, vector<1x1000x128xf32>
    %get3A_5 = vector.shape_cast %get3A_4 : vector<1x1000x128xf32> to vector<1000x128xf32>
    %get3A_6 = arith.index_cast %arg0 : i32 to index
    %get3A_7 = arith.constant 0 : index
    %get3A_8 = arith.constant 0 : index
    %get3A_9 = vector.load %arg3[%get3A_6, %get3A_7, %get3A_8] : memref<2x128x128xf32, #tpu.memory_space<vmem>>, vector<1x128x128xf32>
    %get3A_10 = vector.shape_cast %get3A_9 : vector<1x128x128xf32> to vector<128x128xf32>
    %dot_general3A = arith.constant dense<0.000000e+00> : vector<1000x128xf32>
    %dot_general3A_11 = tpu.matmul %get3A_5, %get3A_10, %dot_general3A {dimension_numbers = #tpu.dot_dimension_numbers<[1], [0], [0], [1], [0, 0, 1, 1], [], []>, transpose_lhs_hint = false} : vector<1000x128xf32>, vector<128x128xf32>, vector<1000x128xf32> -> vector<1000x128xf32>
    %get3A_12 = arith.index_cast %arg0 : i32 to index
    %get3A_13 = arith.constant 0 : index
    %get3A_14 = vector.load %arg4[%get3A_12, %get3A_13] : memref<2x128xf32, #tpu.memory_space<vmem>>, vector<1x128xf32>
    %get3A_15 = vector.shape_cast %get3A_14 : vector<1x128xf32> to vector<128xf32>
    %broadcast_in_dim3A = vector.shape_cast %get3A_15 : vector<128xf32> to vector<1x128xf32>
    %add3A_16 = vector.broadcast %broadcast_in_dim3A : vector<1x128xf32> to vector<1000x128xf32>
    %add3A_17 = arith.addf %dot_general3A_11, %add3A_16 : vector<1000x128xf32>
    %get3A_18 = arith.index_cast %arg0 : i32 to index
    %get3A_19 = arith.constant 0 : index
    %get3A_20 = arith.constant 0 : index
    %get3A_21 = vector.load %arg5[%get3A_18, %get3A_19, %get3A_20] : memref<4x128x128xf32, #tpu.memory_space<vmem>>, vector<1x128x128xf32>
    %get3A_22 = vector.shape_cast %get3A_21 : vector<1x128x128xf32> to vector<128x128xf32>
    %dot_general3A_23 = arith.constant dense<0.000000e+00> : vector<1000x128xf32>
    %dot_general3A_24 = tpu.matmul %add3A_17, %get3A_22, %dot_general3A_23 {dimension_numbers = #tpu.dot_dimension_numbers<[1], [0], [0], [1], [0, 0, 1, 1], [], []>, transpose_lhs_hint = false} : vector<1000x128xf32>, vector<128x128xf32>, vector<1000x128xf32> -> vector<1000x128xf32>
    %get3A_25 = arith.index_cast %arg0 : i32 to index
    %get3A_26 = arith.constant 0 : index
    %get3A_27 = vector.load %arg6[%get3A_25, %get3A_26] : memref<4x128xf32, #tpu.memory_space<vmem>>, vector<1x128xf32>
    %get3A_28 = vector.shape_cast %get3A_27 : vector<1x128xf32> to vector<128xf32>
    %broadcast_in_dim3A_29 = vector.shape_cast %get3A_28 : vector<128xf32> to vector<1x128xf32>
    %add3A_30 = vector.broadcast %broadcast_in_dim3A_29 : vector<1x128xf32> to vector<1000x128xf32>
    %add3A_31 = arith.addf %dot_general3A_24, %add3A_30 : vector<1000x128xf32>
    %get3A_32 = arith.index_cast %arg0 : i32 to index
    %get3A_33 = arith.constant 0 : index
    %get3A_34 = arith.constant 0 : index
    %get3A_35 = vector.load %arg11[%get3A_32, %get3A_33, %get3A_34] : memref<4x256x128xf32, #tpu.memory_space<vmem>>, vector<1x256x128xf32>
    %get3A_36 = vector.shape_cast %get3A_35 : vector<1x256x128xf32> to vector<256x128xf32>
    %slice3A = vector.extract_strided_slice %get3A_36 {offsets = [0, 0], sizes = [128, 128], strides = [1, 1]} : vector<256x128xf32> to vector<128x128xf32>
    %dot_general3A_37 = arith.constant dense<0.000000e+00> : vector<1000x128xf32>
    %dot_general3A_38 = tpu.matmul %add3A_31, %slice3A, %dot_general3A_37 {dimension_numbers = #tpu.dot_dimension_numbers<[1], [0], [0], [1], [0, 0, 1, 1], [], []>, transpose_lhs_hint = false} : vector<1000x128xf32>, vector<128x128xf32>, vector<1000x128xf32> -> vector<1000x128xf32>
    %get3A_39 = arith.index_cast %arg0 : i32 to index
    %get3A_40 = arith.constant 0 : index
    %get3A_41 = vector.load %arg13[%get3A_39, %get3A_40] : memref<4x128xf32, #tpu.memory_space<vmem>>, vector<1x128xf32>
    %get3A_42 = vector.shape_cast %get3A_41 : vector<1x128xf32> to vector<128xf32>
    %broadcast_in_dim3A_43 = vector.shape_cast %get3A_42 : vector<128xf32> to vector<1x128xf32>
    %mul3A = vector.broadcast %broadcast_in_dim3A_43 : vector<1x128xf32> to vector<1000x128xf32>
    %mul3A_44 = arith.mulf %dot_general3A_38, %mul3A : vector<1000x128xf32>
    %swap3A = arith.constant 0 : index
    %swap3A_45 = arith.constant 0 : index
    %swap3A_46 = arith.constant 0 : index
    %swap3A_47 = vector.load %arg14[%swap3A, %swap3A_45, %swap3A_46] : memref<1x1000x128xf32, #tpu.memory_space<vmem>>, vector<1x1000x128xf32>
    %swap3A_48 = vector.shape_cast %swap3A_47 : vector<1x1000x128xf32> to vector<1000x128xf32>
    %swap3A_49 = vector.shape_cast %mul3A_44 : vector<1000x128xf32> to vector<1x1000x128xf32>
    tpu.vector_store %arg14[%swap3A, %swap3A_45, %swap3A_46], %swap3A_49 {strides = array<i32>} : memref<1x1000x128xf32, #tpu.memory_space<vmem>>, vector<1x1000x128xf32>,
    %get3A_50 = arith.index_cast %arg0 : i32 to index
    %get3A_51 = arith.constant 0 : index
    %get3A_52 = arith.constant 0 : index
    %get3A_53 = vector.load %arg9[%get3A_50, %get3A_51, %get3A_52] : memref<4x128x128xf32, #tpu.memory_space<vmem>>, vector<1x128x128xf32>
    %get3A_54 = vector.shape_cast %get3A_53 : vector<1x128x128xf32> to vector<128x128xf32>
    %dot_general3A_55 = arith.constant dense<0.000000e+00> : vector<1000x128xf32>
    %dot_general3A_56 = tpu.matmul %add3A_17, %get3A_54, %dot_general3A_55 {dimension_numbers = #tpu.dot_dimension_numbers<[1], [0], [0], [1], [0, 0, 1, 1], [], []>, transpose_lhs_hint = false} : vector<1000x128xf32>, vector<128x128xf32>, vector<1000x128xf32> -> vector<1000x128xf32>
    %get3A_57 = arith.index_cast %arg0 : i32 to index
    %get3A_58 = arith.constant 0 : index
    %get3A_59 = vector.load %arg10[%get3A_57, %get3A_58] : memref<4x128xf32, #tpu.memory_space<vmem>>, vector<1x128xf32>
    %get3A_60 = vector.shape_cast %get3A_59 : vector<1x128xf32> to vector<128xf32>
    %broadcast_in_dim3A_61 = vector.shape_cast %get3A_60 : vector<128xf32> to vector<1x128xf32>
    %add3A_62 = vector.broadcast %broadcast_in_dim3A_61 : vector<1x128xf32> to vector<1000x128xf32>
    %add3A_63 = arith.addf %dot_general3A_56, %add3A_62 : vector<1000x128xf32>
    %swap3A_64 = arith.constant 0 : index
    %swap3A_65 = arith.constant 0 : index
    %swap3A_66 = arith.constant 0 : index
    %swap3A_67 = vector.load %arg15[%swap3A_64, %swap3A_65, %swap3A_66] : memref<1x1000x128xf32, #tpu.memory_space<vmem>>, vector<1x1000x128xf32>
    %swap3A_68 = vector.shape_cast %swap3A_67 : vector<1x1000x128xf32> to vector<1000x128xf32>
    %swap3A_69 = vector.shape_cast %add3A_63 : vector<1000x128xf32> to vector<1x1000x128xf32>
    tpu.vector_store %arg15[%swap3A_64, %swap3A_65, %swap3A_66], %swap3A_69 {strides = array<i32>} : memref<1x1000x128xf32, #tpu.memory_space<vmem>>, vector<1x1000x128xf32>,
    %get3A_70 = arith.index_cast %sub3A_0 : i32 to index
    %get3A_71 = arith.constant 0 : index
    %get3A_72 = arith.constant 0 : index
    %get3A_73 = vector.load %arg7[%get3A_70, %get3A_71, %get3A_72] : memref<4x128x128xf32, #tpu.memory_space<vmem>>, vector<1x128x128xf32>
    %get3A_74 = vector.shape_cast %get3A_73 : vector<1x128x128xf32> to vector<128x128xf32>
    %dot_general3A_75 = arith.constant dense<0.000000e+00> : vector<1000x128xf32>
    %dot_general3A_76 = tpu.matmul %add3A_17, %get3A_74, %dot_general3A_75 {dimension_numbers = #tpu.dot_dimension_numbers<[1], [0], [0], [1], [0, 0, 1, 1], [], []>, transpose_lhs_hint = false} : vector<1000x128xf32>, vector<128x128xf32>, vector<1000x128xf32> -> vector<1000x128xf32>
    %get3A_77 = arith.index_cast %sub3A_0 : i32 to index
    %get3A_78 = arith.constant 0 : index
    %get3A_79 = vector.load %arg8[%get3A_77, %get3A_78] : memref<4x128xf32, #tpu.memory_space<vmem>>, vector<1x128xf32>
    %get3A_80 = vector.shape_cast %get3A_79 : vector<1x128xf32> to vector<128xf32>
    %broadcast_in_dim3A_81 = vector.shape_cast %get3A_80 : vector<128xf32> to vector<1x128xf32>
    %add3A_82 = vector.broadcast %broadcast_in_dim3A_81 : vector<1x128xf32> to vector<1000x128xf32>
    %add3A_83 = arith.addf %dot_general3A_76, %add3A_82 : vector<1000x128xf32>
    %get3A_84 = arith.index_cast %sub3A_0 : i32 to index
    %get3A_85 = arith.constant 0 : index
    %get3A_86 = arith.constant 0 : index
    %get3A_87 = vector.load %arg11[%get3A_84, %get3A_85, %get3A_86] : memref<4x256x128xf32, #tpu.memory_space<vmem>>, vector<1x256x128xf32>
    %get3A_88 = vector.shape_cast %get3A_87 : vector<1x256x128xf32> to vector<256x128xf32>
    %slice3A_89 = vector.extract_strided_slice %get3A_88 {offsets = [128, 0], sizes = [128, 128], strides = [1, 1]} : vector<256x128xf32> to vector<128x128xf32>
    %dot_general3A_90 = arith.constant dense<0.000000e+00> : vector<1000x128xf32>
    %dot_general3A_91 = tpu.matmul %add3A_83, %slice3A_89, %dot_general3A_90 {dimension_numbers = #tpu.dot_dimension_numbers<[1], [0], [0], [1], [0, 0, 1, 1], [], []>, transpose_lhs_hint = false} : vector<1000x128xf32>, vector<128x128xf32>, vector<1000x128xf32> -> vector<1000x128xf32>
    %get3A_92 = arith.index_cast %sub3A_0 : i32 to index
    %get3A_93 = arith.constant 0 : index
    %get3A_94 = vector.load %arg12[%get3A_92, %get3A_93] : memref<4x128xf32, #tpu.memory_space<vmem>>, vector<1x128xf32>
    %get3A_95 = vector.shape_cast %get3A_94 : vector<1x128xf32> to vector<128xf32>
    %broadcast_in_dim3A_96 = vector.shape_cast %get3A_95 : vector<128xf32> to vector<1x128xf32>
    %add3A_97 = vector.broadcast %broadcast_in_dim3A_96 : vector<1x128xf32> to vector<1000x128xf32>
    %add3A_98 = arith.addf %dot_general3A_91, %add3A_97 : vector<1000x128xf32>
    %get3A_99 = arith.index_cast %sub3A_0 : i32 to index
    %get3A_100 = arith.constant 0 : index
    %get3A_101 = vector.load %arg13[%get3A_99, %get3A_100] : memref<4x128xf32, #tpu.memory_space<vmem>>, vector<1x128xf32>
    %get3A_102 = vector.shape_cast %get3A_101 : vector<1x128xf32> to vector<128xf32>
    %broadcast_in_dim3A_103 = vector.shape_cast %get3A_102 : vector<128xf32> to vector<1x128xf32>
    %mul3A_104 = vector.broadcast %broadcast_in_dim3A_103 : vector<1x128xf32> to vector<1000x128xf32>
    %mul3A_105 = arith.mulf %add3A_98, %mul3A_104 : vector<1000x128xf32>
    %swap3A_106 = arith.constant 0 : index
    %swap3A_107 = arith.constant 0 : index
    %swap3A_108 = arith.constant 0 : index
    %swap3A_109 = vector.load %arg16[%swap3A_106, %swap3A_107, %swap3A_108] : memref<1x1000x128xf32, #tpu.memory_space<vmem>>, vector<1x1000x128xf32>
    %swap3A_110 = vector.shape_cast %swap3A_109 : vector<1x1000x128xf32> to vector<1000x128xf32>
    %swap3A_111 = vector.shape_cast %mul3A_105 : vector<1000x128xf32> to vector<1x1000x128xf32>
    tpu.vector_store %arg16[%swap3A_106, %swap3A_107, %swap3A_108], %swap3A_111 {strides = array<i32>} : memref<1x1000x128xf32, #tpu.memory_space<vmem>>, vector<1x1000x128xf32>,
    %get3A_112 = arith.index_cast %add3A_1 : i32 to index
    %get3A_113 = arith.constant 0 : index
    %get3A_114 = arith.constant 0 : index
    %get3A_115 = vector.load %arg5[%get3A_112, %get3A_113, %get3A_114] : memref<4x128x128xf32, #tpu.memory_space<vmem>>, vector<1x128x128xf32>
    %get3A_116 = vector.shape_cast %get3A_115 : vector<1x128x128xf32> to vector<128x128xf32>
    %dot_general3A_117 = arith.constant dense<0.000000e+00> : vector<1000x128xf32>
    %dot_general3A_118 = tpu.matmul %add3A_17, %get3A_116, %dot_general3A_117 {dimension_numbers = #tpu.dot_dimension_numbers<[1], [0], [0], [1], [0, 0, 1, 1], [], []>, transpose_lhs_hint = false} : vector<1000x128xf32>, vector<128x128xf32>, vector<1000x128xf32> -> vector<1000x128xf32>
    %get3A_119 = arith.index_cast %add3A_1 : i32 to index
    %get3A_120 = arith.constant 0 : index
    %get3A_121 = vector.load %arg6[%get3A_119, %get3A_120] : memref<4x128xf32, #tpu.memory_space<vmem>>, vector<1x128xf32>
    %get3A_122 = vector.shape_cast %get3A_121 : vector<1x128xf32> to vector<128xf32>
    %broadcast_in_dim3A_123 = vector.shape_cast %get3A_122 : vector<128xf32> to vector<1x128xf32>
    %add3A_124 = vector.broadcast %broadcast_in_dim3A_123 : vector<1x128xf32> to vector<1000x128xf32>
    %add3A_125 = arith.addf %dot_general3A_118, %add3A_124 : vector<1000x128xf32>
    %get3A_126 = arith.index_cast %add3A_1 : i32 to index
    %get3A_127 = arith.constant 0 : index
    %get3A_128 = arith.constant 0 : index
    %get3A_129 = vector.load %arg11[%get3A_126, %get3A_127, %get3A_128] : memref<4x256x128xf32, #tpu.memory_space<vmem>>, vector<1x256x128xf32>
    %get3A_130 = vector.shape_cast %get3A_129 : vector<1x256x128xf32> to vector<256x128xf32>
    %slice3A_131 = vector.extract_strided_slice %get3A_130 {offsets = [0, 0], sizes = [128, 128], strides = [1, 1]} : vector<256x128xf32> to vector<128x128xf32>
    %dot_general3A_132 = arith.constant dense<0.000000e+00> : vector<1000x128xf32>
    %dot_general3A_133 = tpu.matmul %add3A_125, %slice3A_131, %dot_general3A_132 {dimension_numbers = #tpu.dot_dimension_numbers<[1], [0], [0], [1], [0, 0, 1, 1], [], []>, transpose_lhs_hint = false} : vector<1000x128xf32>, vector<128x128xf32>, vector<1000x128xf32> -> vector<1000x128xf32>
    %get3A_134 = arith.index_cast %add3A_1 : i32 to index
    %get3A_135 = arith.constant 0 : index
    %get3A_136 = vector.load %arg13[%get3A_134, %get3A_135] : memref<4x128xf32, #tpu.memory_space<vmem>>, vector<1x128xf32>
    %get3A_137 = vector.shape_cast %get3A_136 : vector<1x128xf32> to vector<128xf32>
    %broadcast_in_dim3A_138 = vector.shape_cast %get3A_137 : vector<128xf32> to vector<1x128xf32>
    %mul3A_139 = vector.broadcast %broadcast_in_dim3A_138 : vector<1x128xf32> to vector<1000x128xf32>
    %mul3A_140 = arith.mulf %dot_general3A_133, %mul3A_139 : vector<1000x128xf32>
    %get3A_141 = arith.index_cast %add3A_1 : i32 to index
    %get3A_142 = arith.constant 0 : index
    %get3A_143 = arith.constant 0 : index
    %get3A_144 = vector.load %arg7[%get3A_141, %get3A_142, %get3A_143] : memref<4x128x128xf32, #tpu.memory_space<vmem>>, vector<1x128x128xf32>
    %get3A_145 = vector.shape_cast %get3A_144 : vector<1x128x128xf32> to vector<128x128xf32>
    %dot_general3A_146 = arith.constant dense<0.000000e+00> : vector<1000x128xf32>
    %dot_general3A_147 = tpu.matmul %add3A_17, %get3A_145, %dot_general3A_146 {dimension_numbers = #tpu.dot_dimension_numbers<[1], [0], [0], [1], [0, 0, 1, 1], [], []>, transpose_lhs_hint = false} : vector<1000x128xf32>, vector<128x128xf32>, vector<1000x128xf32> -> vector<1000x128xf32>
    %get3A_148 = arith.index_cast %add3A_1 : i32 to index
    %get3A_149 = arith.constant 0 : index
    %get3A_150 = vector.load %arg8[%get3A_148, %get3A_149] : memref<4x128xf32, #tpu.memory_space<vmem>>, vector<1x128xf32>
    %get3A_151 = vector.shape_cast %get3A_150 : vector<1x128xf32> to vector<128xf32>
    %broadcast_in_dim3A_152 = vector.shape_cast %get3A_151 : vector<128xf32> to vector<1x128xf32>
    %add3A_153 = vector.broadcast %broadcast_in_dim3A_152 : vector<1x128xf32> to vector<1000x128xf32>
    %add3A_154 = arith.addf %dot_general3A_147, %add3A_153 : vector<1000x128xf32>
    %get3A_155 = arith.index_cast %add3A_1 : i32 to index
    %get3A_156 = arith.constant 0 : index
    %get3A_157 = arith.constant 0 : index
    %get3A_158 = vector.load %arg11[%get3A_155, %get3A_156, %get3A_157] : memref<4x256x128xf32, #tpu.memory_space<vmem>>, vector<1x256x128xf32>
    %get3A_159 = vector.shape_cast %get3A_158 : vector<1x256x128xf32> to vector<256x128xf32>
    %slice3A_160 = vector.extract_strided_slice %get3A_159 {offsets = [128, 0], sizes = [128, 128], strides = [1, 1]} : vector<256x128xf32> to vector<128x128xf32>
    %dot_general3A_161 = arith.constant dense<0.000000e+00> : vector<1000x128xf32>
    %dot_general3A_162 = tpu.matmul %add3A_154, %slice3A_160, %dot_general3A_161 {dimension_numbers = #tpu.dot_dimension_numbers<[1], [0], [0], [1], [0, 0, 1, 1], [], []>, transpose_lhs_hint = false} : vector<1000x128xf32>, vector<128x128xf32>, vector<1000x128xf32> -> vector<1000x128xf32>
    %get3A_163 = arith.index_cast %add3A_1 : i32 to index
    %get3A_164 = arith.constant 0 : index
    %get3A_165 = vector.load %arg12[%get3A_163, %get3A_164] : memref<4x128xf32, #tpu.memory_space<vmem>>, vector<1x128xf32>
    %get3A_166 = vector.shape_cast %get3A_165 : vector<1x128xf32> to vector<128xf32>
    %broadcast_in_dim3A_167 = vector.shape_cast %get3A_166 : vector<128xf32> to vector<1x128xf32>
    %add3A_168 = vector.broadcast %broadcast_in_dim3A_167 : vector<1x128xf32> to vector<1000x128xf32>
    %add3A_169 = arith.addf %dot_general3A_162, %add3A_168 : vector<1000x128xf32>
    %get3A_170 = arith.index_cast %add3A_1 : i32 to index
    %get3A_171 = arith.constant 0 : index
    %get3A_172 = vector.load %arg13[%get3A_170, %get3A_171] : memref<4x128xf32, #tpu.memory_space<vmem>>, vector<1x128xf32>
    %get3A_173 = vector.shape_cast %get3A_172 : vector<1x128xf32> to vector<128xf32>
    %broadcast_in_dim3A_174 = vector.shape_cast %get3A_173 : vector<128xf32> to vector<1x128xf32>
    %mul3A_175 = vector.broadcast %broadcast_in_dim3A_174 : vector<1x128xf32> to vector<1000x128xf32>
    %mul3A_176 = arith.mulf %add3A_169, %mul3A_175 : vector<1000x128xf32>
    %add3A_177 = arith.addf %mul3A_140, %mul3A_176 : vector<1000x128xf32>
    %logistic3A = arith.negf %add3A_177 : vector<1000x128xf32>
    %logistic3A_178 = math.exp %logistic3A : vector<1000x128xf32>
    %logistic3A_179 = arith.constant 1.000000e+00 : f32
    %logistic3A_180 = vector.broadcast %logistic3A_179 : f32 to vector<1000x128xf32>
    %logistic3A_181 = arith.addf %logistic3A_180, %logistic3A_178 : vector<1000x128xf32>
    %logistic3A_182 = arith.divf %logistic3A_180, %logistic3A_181 : vector<1000x128xf32>
    %get3A_183 = arith.index_cast %add3A_1 : i32 to index
    %get3A_184 = arith.constant 0 : index
    %get3A_185 = arith.constant 0 : index
    %get3A_186 = vector.load %arg9[%get3A_183, %get3A_184, %get3A_185] : memref<4x128x128xf32, #tpu.memory_space<vmem>>, vector<1x128x128xf32>
    %get3A_187 = vector.shape_cast %get3A_186 : vector<1x128x128xf32> to vector<128x128xf32>
    %dot_general3A_188 = arith.constant dense<0.000000e+00> : vector<1000x128xf32>
    %dot_general3A_189 = tpu.matmul %add3A_17, %get3A_187, %dot_general3A_188 {dimension_numbers = #tpu.dot_dimension_numbers<[1], [0], [0], [1], [0, 0, 1, 1], [], []>, transpose_lhs_hint = false} : vector<1000x128xf32>, vector<128x128xf32>, vector<1000x128xf32> -> vector<1000x128xf32>
    %get3A_190 = arith.index_cast %add3A_1 : i32 to index
    %get3A_191 = arith.constant 0 : index
    %get3A_192 = vector.load %arg10[%get3A_190, %get3A_191] : memref<4x128xf32, #tpu.memory_space<vmem>>, vector<1x128xf32>
    %get3A_193 = vector.shape_cast %get3A_192 : vector<1x128xf32> to vector<128xf32>
    %broadcast_in_dim3A_194 = vector.shape_cast %get3A_193 : vector<128xf32> to vector<1x128xf32>
    %add3A_195 = vector.broadcast %broadcast_in_dim3A_194 : vector<1x128xf32> to vector<1000x128xf32>
    %add3A_196 = arith.addf %dot_general3A_189, %add3A_195 : vector<1000x128xf32>
    %mul3A_197 = arith.mulf %logistic3A_182, %add3A_196 : vector<1000x128xf32>
    %swap3A_198 = arith.constant 0 : index
    %swap3A_199 = arith.constant 0 : index
    %swap3A_200 = arith.constant 0 : index
    %swap3A_201 = vector.load %arg17[%swap3A_198, %swap3A_199, %swap3A_200] : memref<1x1000x128xf32, #tpu.memory_space<vmem>>, vector<1x1000x128xf32>
    %swap3A_202 = vector.shape_cast %swap3A_201 : vector<1x1000x128xf32> to vector<1000x128xf32>
    %swap3A_203 = vector.shape_cast %mul3A_197 : vector<1000x128xf32> to vector<1x1000x128xf32>
    tpu.vector_store %arg17[%swap3A_198, %swap3A_199, %swap3A_200], %swap3A_203 {strides = array<i32>} : memref<1x1000x128xf32, #tpu.memory_space<vmem>>, vector<1x1000x128xf32>,
    return
  }
  func.func @transform_0(%arg0: i32, %arg1: i32) -> (i32, i32, i32) {
    %c0_i32 = arith.constant 0 : i32
    %c0_i32_0 = arith.constant 0 : i32
    return %arg0, %arg1, %c0_i32 : i32, i32, i32
  }
  func.func @transform_1(%arg0: i32, %arg1: i32) -> (i32, i32, i32) {
    %c0_i32 = arith.constant 0 : i32
    %c0_i32_0 = arith.constant 0 : i32
    %c0_i32_1 = arith.constant 0 : i32
    %c0_i32_2 = arith.constant 0 : i32
    return %c0_i32, %c0_i32_0, %c0_i32_1 : i32, i32, i32
  }
  func.func @transform_2(%arg0: i32, %arg1: i32) -> (i32, i32) {
    %c0_i32 = arith.constant 0 : i32
    %c0_i32_0 = arith.constant 0 : i32
    %c0_i32_1 = arith.constant 0 : i32
    return %c0_i32, %c0_i32_0 : i32, i32
  }
  func.func @transform_3(%arg0: i32, %arg1: i32) -> (i32, i32, i32) {
    %c0_i32 = arith.constant 0 : i32
    %c0_i32_0 = arith.constant 0 : i32
    %c0_i32_1 = arith.constant 0 : i32
    %c0_i32_2 = arith.constant 0 : i32
    return %c0_i32, %c0_i32_0, %c0_i32_1 : i32, i32, i32
  }
  func.func @transform_4(%arg0: i32, %arg1: i32) -> (i32, i32) {
    %c0_i32 = arith.constant 0 : i32
    %c0_i32_0 = arith.constant 0 : i32
    %c0_i32_1 = arith.constant 0 : i32
    return %c0_i32, %c0_i32_0 : i32, i32
  }
  func.func @transform_5(%arg0: i32, %arg1: i32) -> (i32, i32, i32) {
    %c0_i32 = arith.constant 0 : i32
    %c0_i32_0 = arith.constant 0 : i32
    %c0_i32_1 = arith.constant 0 : i32
    %c0_i32_2 = arith.constant 0 : i32
    return %c0_i32, %c0_i32_0, %c0_i32_1 : i32, i32, i32
  }
  func.func @transform_6(%arg0: i32, %arg1: i32) -> (i32, i32) {
    %c0_i32 = arith.constant 0 : i32
    %c0_i32_0 = arith.constant 0 : i32
    %c0_i32_1 = arith.constant 0 : i32
    return %c0_i32, %c0_i32_0 : i32, i32
  }
  func.func @transform_7(%arg0: i32, %arg1: i32) -> (i32, i32, i32) {
    %c0_i32 = arith.constant 0 : i32
    %c0_i32_0 = arith.constant 0 : i32
    %c0_i32_1 = arith.constant 0 : i32
    %c0_i32_2 = arith.constant 0 : i32
    return %c0_i32, %c0_i32_0, %c0_i32_1 : i32, i32, i32
  }
  func.func @transform_8(%arg0: i32, %arg1: i32) -> (i32, i32) {
    %c0_i32 = arith.constant 0 : i32
    %c0_i32_0 = arith.constant 0 : i32
    %c0_i32_1 = arith.constant 0 : i32
    return %c0_i32, %c0_i32_0 : i32, i32
  }
  func.func @transform_9(%arg0: i32, %arg1: i32) -> (i32, i32, i32) {
    %c0_i32 = arith.constant 0 : i32
    %c0_i32_0 = arith.constant 0 : i32
    %c0_i32_1 = arith.constant 0 : i32
    %c0_i32_2 = arith.constant 0 : i32
    return %c0_i32, %c0_i32_0, %c0_i32_1 : i32, i32, i32
  }
  func.func @transform_10(%arg0: i32, %arg1: i32) -> (i32, i32) {
    %c0_i32 = arith.constant 0 : i32
    %c0_i32_0 = arith.constant 0 : i32
    %c0_i32_1 = arith.constant 0 : i32
    return %c0_i32, %c0_i32_0 : i32, i32
  }
  func.func @transform_11(%arg0: i32, %arg1: i32) -> (i32, i32) {
    %c0_i32 = arith.constant 0 : i32
    %c0_i32_0 = arith.constant 0 : i32
    %c0_i32_1 = arith.constant 0 : i32
    return %c0_i32, %c0_i32_0 : i32, i32
  }
  func.func @transform_12(%arg0: i32, %arg1: i32) -> (i32, i32, i32) {
    %c0_i32 = arith.constant 0 : i32
    %c0_i32_0 = arith.constant 0 : i32
    return %arg0, %arg1, %c0_i32 : i32, i32, i32
  }
  func.func @transform_13(%arg0: i32, %arg1: i32) -> (i32, i32, i32) {
    %c0_i32 = arith.constant 0 : i32
    %c0_i32_0 = arith.constant 0 : i32
    return %arg0, %arg1, %c0_i32 : i32, i32, i32
  }
  func.func @transform_14(%arg0: i32, %arg1: i32) -> (i32, i32, i32) {
    %sub3A = arith.constant 1 : i32
    %sub3A_0 = arith.subi %sub3A, %arg0 : i32
    %c0_i32 = arith.constant 0 : i32
    %c0_i32_1 = arith.constant 0 : i32
    return %sub3A_0, %arg1, %c0_i32 : i32, i32, i32
  }
  func.func @transform_15(%arg0: i32, %arg1: i32) -> (i32, i32, i32) {
    %sub3A = arith.constant 1 : i32
    %sub3A_0 = arith.subi %sub3A, %arg0 : i32
    %c0_i32 = arith.constant 0 : i32
    %c0_i32_1 = arith.constant 0 : i32
    return %sub3A_0, %arg1, %c0_i32 : i32, i32, i32
  }
}

module attributes {stable_mosaic.version = 14 : i64} {
  func.func @_out_linear_body(%arg0: i32, %arg1: i32, %arg2: memref<1x1000x128xf32, #tpu.memory_space<vmem>>, %arg3: memref<2x128x128xf32, #tpu.memory_space<vmem>>, %arg4: memref<2x128xf32, #tpu.memory_space<vmem>>, %arg5: memref<1x1000x128xf32, #tpu.memory_space<vmem>>) attributes {dimension_semantics = [#tpu.dimension_semantics<arbitrary>, #tpu.dimension_semantics<arbitrary>], iteration_bounds = array<i64: 2, 10>, scalar_prefetch = 0 : i64, scratch_operands = 0 : i64, tpu.core_type = #tpu.core_type<tc>, window_params = [{transform_indices = @transform_0, window_bounds = array<i64: 1, 1000, 128>}, {pipeline_mode = #tpu.pipeline_mode<synchronous>, transform_indices = @transform_1, window_bounds = array<i64: 2, 128, 128>}, {pipeline_mode = #tpu.pipeline_mode<synchronous>, transform_indices = @transform_2, window_bounds = array<i64: 2, 128>}, {transform_indices = @transform_3, window_bounds = array<i64: 1, 1000, 128>}]} {
    %get3A = arith.constant 0 : index
    %get3A_0 = arith.constant 0 : index
    %get3A_1 = arith.constant 0 : index
    %get3A_2 = vector.load %arg2[%get3A, %get3A_0, %get3A_1] : memref<1x1000x128xf32, #tpu.memory_space<vmem>>, vector<1x1000x128xf32>
    %get3A_3 = vector.shape_cast %get3A_2 : vector<1x1000x128xf32> to vector<1000x128xf32>
    %get3A_4 = arith.index_cast %arg0 : i32 to index
    %get3A_5 = arith.constant 0 : index
    %get3A_6 = arith.constant 0 : index
    %get3A_7 = vector.load %arg3[%get3A_4, %get3A_5, %get3A_6] : memref<2x128x128xf32, #tpu.memory_space<vmem>>, vector<1x128x128xf32>
    %get3A_8 = vector.shape_cast %get3A_7 : vector<1x128x128xf32> to vector<128x128xf32>
    %dot_general3A = arith.constant dense<0.000000e+00> : vector<1000x128xf32>
    %dot_general3A_9 = tpu.matmul %get3A_3, %get3A_8, %dot_general3A {dimension_numbers = #tpu.dot_dimension_numbers<[1], [0], [0], [1], [0, 0, 1, 1], [], []>, transpose_lhs_hint = false} : vector<1000x128xf32>, vector<128x128xf32>, vector<1000x128xf32> -> vector<1000x128xf32>
    %get3A_10 = arith.index_cast %arg0 : i32 to index
    %get3A_11 = arith.constant 0 : index
    %get3A_12 = vector.load %arg4[%get3A_10, %get3A_11] : memref<2x128xf32, #tpu.memory_space<vmem>>, vector<1x128xf32>
    %get3A_13 = vector.shape_cast %get3A_12 : vector<1x128xf32> to vector<128xf32>
    %broadcast_in_dim3A = vector.shape_cast %get3A_13 : vector<128xf32> to vector<1x128xf32>
    %add3A = vector.broadcast %broadcast_in_dim3A : vector<1x128xf32> to vector<1000x128xf32>
    %add3A_14 = arith.addf %dot_general3A_9, %add3A : vector<1000x128xf32>
    %swap3A = arith.constant 0 : index
    %swap3A_15 = arith.constant 0 : index
    %swap3A_16 = arith.constant 0 : index
    %swap3A_17 = vector.load %arg5[%swap3A, %swap3A_15, %swap3A_16] : memref<1x1000x128xf32, #tpu.memory_space<vmem>>, vector<1x1000x128xf32>
    %swap3A_18 = vector.shape_cast %swap3A_17 : vector<1x1000x128xf32> to vector<1000x128xf32>
    %swap3A_19 = vector.shape_cast %add3A_14 : vector<1000x128xf32> to vector<1x1000x128xf32>
    tpu.vector_store %arg5[%swap3A, %swap3A_15, %swap3A_16], %swap3A_19 {strides = array<i32>} : memref<1x1000x128xf32, #tpu.memory_space<vmem>>, vector<1x1000x128xf32>,
    return
  }
  func.func @transform_0(%arg0: i32, %arg1: i32) -> (i32, i32, i32) {
    %sub3A = arith.constant 1 : i32
    %sub3A_0 = arith.subi %sub3A, %arg0 : i32
    %c0_i32 = arith.constant 0 : i32
    %c0_i32_1 = arith.constant 0 : i32
    return %sub3A_0, %arg1, %c0_i32 : i32, i32, i32
  }
  func.func @transform_1(%arg0: i32, %arg1: i32) -> (i32, i32, i32) {
    %c0_i32 = arith.constant 0 : i32
    %c0_i32_0 = arith.constant 0 : i32
    %c0_i32_1 = arith.constant 0 : i32
    %c0_i32_2 = arith.constant 0 : i32
    return %c0_i32, %c0_i32_0, %c0_i32_1 : i32, i32, i32
  }
  func.func @transform_2(%arg0: i32, %arg1: i32) -> (i32, i32) {
    %c0_i32 = arith.constant 0 : i32
    %c0_i32_0 = arith.constant 0 : i32
    %c0_i32_1 = arith.constant 0 : i32
    return %c0_i32, %c0_i32_0 : i32, i32
  }
  func.func @transform_3(%arg0: i32, %arg1: i32) -> (i32, i32, i32) {
    %c0_i32 = arith.constant 0 : i32
    %c0_i32_0 = arith.constant 0 : i32
    return %arg0, %arg1, %c0_i32 : i32, i32, i32
  }
}

</mosaic_0001>

<sc_bundles>
// kernel: kernel.5.cloned.1.call-start
scs
__scs_entry_jumppad:
0x0: {  	(pc) =	sbr.rel $0x88, $3  }
0x1: {  	(tag) =	ssettag $0x0;
	lr =	simm.s32 $0x1  }
0x2: {  	[smem:$0x3F90] =	sst lr;
	_ =	strace $0xD0000000  }
0x3: {  	_ = 	snop  }
0x4: {  	_ = 	snop  }
0x5: {  	_ = 	snop  }
0x6: {  	_ = 	snop  }
0x7: {  	_ = 	snop  }
__scs_overlays_trampoline_lowered:
0x8: {  	[smem:$0x3F9F] =	sst s0  }
0x9: {  	[smem:$0x3FA0] =	sst s1  }
0xa: {  	[smem:$0x3FA1] =	sst s2  }
0xb: {  	[smem:$0x3FA2] =	sst s3  }
0xc: {  	[smem:$0x3FA3] =	sst s4  }
0xd: {  	[smem:$0x3FA4] =	sst s5  }
0xe: {  	[smem:$0x3FA5] =	sst s6  }
0xf: {  	[smem:$0x3FA6] =	sst s7  }
0x10: {  	[smem:$0x3FA7] =	sst s8  }
0x11: {  	[smem:$0x3FA8] =	sst s9;
	s0 =	simm.s32 @!p0 $0x0  }
0x12: {  	s1 =	sld [smem:$0x3F8E];
	s0 =	simm.s32 @p0 $0x1  }
0x13: {  	[smem:$0x3FA9] =	sst s0;
	s0 =	simm.s32 @!p1 $0x0  }
0x14: {  	s2 =	sld [smem:$0x3F8D];
	s0 =	simm.s32 @p1 $0x1  }
0x15: {  	[smem:$0x3FAA] =	sst s0;
	s0 =	simm.s32 @!p2 $0x0  }
0x16: {  	s3 =	sld [smem:$0x3FDB];
	s0 =	simm.s32 @p2 $0x1  }
0x17: {  	s4 =	simm.s32 $0x1BF5;
	[smem:$0x3FAC] =	sst s0  }
0x18: {  	s0 =	sld [smem:$0x3F8F];
	_ =	swait.ge [sflag:s4], $0x0  }
0x19: {  	s7 =	sld [smem:$0x3F90]  }
0x1a: {  	s8 =	sadd.s32 $0xFFFFE003, lr  }
0x1b: {  	s9 =	sadd.s32 $0xFFFFFEF7, lr;
	s5 =	simm.s32 $0xFFFFFFFF;
	p2 =	slt.u32 s8, $0xFFFFF086  }
0x1c: {  	p1 =	slt.u32 s9, $0xF7A;
	s5 =	simm.s32 @!p2 $0x0  }
0x1d: {  	s5 =	simm.s32 @p1 $0x1;
	p0 =	seq.s32 s7, s2  }
0x1e: {  	s7 =	smul.u32 @!p0 $0xF7A, s2;
	p2 =	seq.s32 @!p0 s5, $0x0  }
0x1f: {  	s9 =	smul.u32 $0xF7A, s1;
	s8 =	simm.s32 @!p0 $0x1BF5;
	p2 =	por !p2, p0  }
0x20: {  	[sflag:s8] =	ssyncset.s32 @!p0 $0xFFFFF086;
	s6 =	sadd.s32 @!p0 s3, s7;
	s7 =	simm.s32 @!p0 $0x108  }
0x21: {  	s3 =	sadd.s32 s3, s9;
	s6 =	sadd.s32 @!p0 $0x88, s6;
	s7 =	simm.s32 @p2 $0x1082  }
0x22: {  	[simem:s7], [sflag:s8] =	dma.local @!p0 [hbm:s6], $0xF7A  }
0x23: {  	s9 =	sor.u32 $0xD0000000, s2;
	s6 =	simm.s32 $0x108;
	_ =	swait.ge @!p0 [sflag:s8], $0x0  }
0x24: {  	s3 =	sadd.s32 $0x88, s3;
	s6 =	simm.s32 @!p1 $0x1082;
	[sflag:s4] =	ssyncset.s32 $0xFFFFF086  }
0x25: {  	[simem:s6], [sflag:s4] =	dma.local [hbm:s3], $0xF7A  }
0x26: {  	[smem:$0x3F90] =	sst s1;
	(tag) =	ssettag s2;
	_ =	strace s9  }
0x27: {  	s1 =	sld [smem:$0x3FA0]  }
0x28: {  	s2 =	sld [smem:$0x3FA1]  }
0x29: {  	s4 =	sld [smem:$0x3FA3]  }
0x2a: {  	p0 =	seq.s32 s5, $0x0;
	s5 =	sld [smem:$0x3FA4]  }
0x2b: {  	s6 =	sld [smem:$0x3FA5]  }
0x2c: {  	s7 =	sld [smem:$0x3FA6]  }
0x2d: {  	s3 =	simm.s32 $0x108;
	s8 =	sld [smem:$0x3FA7]  }
0x2e: {  	s3 =	simm.s32 @!p0 $0x1082;
	s9 =	sld [smem:$0x3FA8]  }
0x2f: {  	lr =	sadd.s32 s0, s3;
	s0 =	sld [smem:$0x3F9F]  }
0x30: {  	s3 =	sld [smem:$0x3FA2]  }
0x31: {  	[smem:$0x3FAB] =	sst s10  }
0x32: {  	s10 =	sld [smem:$0x3FA9];
	_ =	sdelay $0x3  }
0x33: {  	p0 =	seq.s32 s10, $0x1;
	s10 =	sld [smem:$0x3FAB];
	_ =	sdelay $0x3  }
0x34: {  	[smem:$0x3FAB] =	sst s10  }
0x35: {  	s10 =	sld [smem:$0x3FAA];
	_ =	sdelay $0x3  }
0x36: {  	p1 =	seq.s32 s10, $0x1;
	s10 =	sld [smem:$0x3FAB];
	_ =	sdelay $0x3  }
0x37: {  	[smem:$0x3FAB] =	sst s10  }
0x38: {  	s10 =	sld [smem:$0x3FAC]  }
0x39: {  	_ = 	snop;
	(pc) =	sbr.ind lr, $3  }
0x3a: {  	_ = 	snop  }
0x3b: {  	_ = 	snop  }
0x3c: {  	p2 =	seq.s32 s10, $0x1;
	s10 =	sld [smem:$0x3FAB]  }
0x3d: {  	_ =	shalt  }
0x3e: {  	_ =	shalt  }
0x3f: {  	_ =	shalt  }
0x40: {  	_ =	shalt  }
0x41: {  	_ =	shalt  }
0x42: {  	_ =	shalt  }
0x43: {  	_ =	shalt  }
0x44: {  	_ =	shalt  }
0x45: {  	_ =	shalt  }
0x46: {  	_ =	shalt  }
0x47: {  	_ =	shalt  }
0x48: {  	_ =	shalt  }
0x49: {  	_ =	shalt  }
0x4a: {  	_ =	shalt  }
0x4b: {  	_ =	shalt  }
0x4c: {  	_ =	shalt  }
0x4d: {  	_ =	shalt  }
0x4e: {  	_ =	shalt  }
0x4f: {  	_ =	shalt  }
0x50: {  	_ =	shalt  }
0x51: {  	_ =	shalt  }
0x52: {  	_ =	shalt  }
0x53: {  	_ =	shalt  }
0x54: {  	_ =	shalt  }
0x55: {  	_ =	shalt  }
0x56: {  	_ =	shalt  }
0x57: {  	_ =	shalt  }
0x58: {  	_ =	shalt  }
0x59: {  	_ =	shalt  }
0x5a: {  	_ =	shalt  }
0x5b: {  	_ =	shalt  }
0x5c: {  	_ =	shalt  }
0x5d: {  	_ =	shalt  }
0x5e: {  	_ =	shalt  }
0x5f: {  	_ =	shalt  }
0x60: {  	_ =	shalt  }
0x61: {  	_ =	shalt  }
0x62: {  	_ =	shalt  }
0x63: {  	_ =	shalt  }
0x64: {  	_ =	shalt  }
0x65: {  	_ =	shalt  }
0x66: {  	_ =	shalt  }
0x67: {  	_ =	shalt  }
0x68: {  	_ =	shalt  }
0x69: {  	_ =	shalt  }
0x6a: {  	_ =	shalt  }
0x6b: {  	_ =	shalt  }
0x6c: {  	_ =	shalt  }
0x6d: {  	_ =	shalt  }
0x6e: {  	_ =	shalt  }
0x6f: {  	_ =	shalt  }
0x70: {  	_ =	shalt  }
0x71: {  	_ =	shalt  }
0x72: {  	_ =	shalt  }
0x73: {  	_ =	shalt  }
0x74: {  	_ =	shalt  }
0x75: {  	_ =	shalt  }
0x76: {  	_ =	shalt  }
0x77: {  	_ =	shalt  }
0x78: {  	_ =	shalt  }
0x79: {  	_ =	shalt  }
0x7a: {  	_ =	shalt  }
0x7b: {  	_ =	shalt  }
0x7c: {  	_ =	shalt  }
0x7d: {  	_ =	shalt  }
0x7e: {  	_ =	shalt  }
0x7f: {  	_ =	shalt  }
0x80: {  	_ =	shalt  }
0x81: {  	_ =	shalt  }
0x82: {  	_ =	shalt  }
0x83: {  	_ =	shalt  }
0x84: {  	_ =	shalt  }
0x85: {  	_ =	shalt  }
0x86: {  	_ =	shalt  }
0x87: {  	_ =	shalt  }
.Lfunc_end0:
.L_simem_size_0:
called_computation_lowered:
.L_overlay_start_0:
0x88: {  	s2 =	sld [smem:$0x3FD9]  }
0x89: {  	s3 =	sld [smem:$0x3FFE];
	_ =	sdelay $0x1  }
0x8a: {  	s1 =	srdreg.scid  }
0x8b: {  	s0 =	sand.u32 $0x1, s1  }
0x8c: {  	s14 =	sshll.u32 s0, $0xA;
	s2 =	sadd.s32 s3, s2  }
0x8d: {  	s2 =	sadd.s32 s2, s14  }
0x8e: {  	[smem:$0x3FB7] =	sst s2  }
0x8f: {  	_ = 	snop  }
0x90: {  	s2 =	sld [smem:$0x3FD0];
	_ =	sdelay $0x2  }
0x91: {  	s15 =	simm.s32 $0xA;
	s4 =	simm.s32 $0x10  }
0x92: {  	[smem:s4], [sflag:s15] =	dma.local [hbm:s2], $0x1  }
0x93: {  	_ =	swait.eq [sflag:s15], $0x1  }
0x94: {  	[sflag:s15] =	ssyncset.done $0x0  }
0x95: {  	[sflag:s15] =	ssyncadd.s32 $0xFFFFFFFF  }
0x96: {  	s16 =	sld [smem:$0x10];
	(tm) =	ssettm $0x1  }
0x97: {  	s17 =	sld [smem:$0x3FFB];
	_ =	sdelay $0x3  }
0x98: {  	_ =	strace s17  }
0x99: {  	s3 =	sld [smem:$0x3FFC];
	_ =	sdelay $0x3  }
0x9a: {  	_ =	strace s3  }
0x9b: {  	s3 =	sld [smem:$0x3FFD];
	_ =	sdelay $0x3  }
0x9c: {  	_ =	strace s3  }
0x9d: {  	_ =	strace $0x8FFFFFFF  }
0x9e: {  	s18 =	sld [smem:$0x3FDB];
	_ =	sdelay $0x1  }
0x9f: {  	s19 =	simm.s32 $_scs_section_size  }
0xa0: {  	s5 =	simm.s32 $_size__tile_overlayer_lowered;
	s6 =	simm.s32 $_tile_overlayer_lowered  }
0xa1: {  	s22 =	simm.s32 $0x1BFF;
	s21 =	sshll.u32 s6, $0x1;
	s3 =	sadd.s32 s19, s18  }
0xa2: {  	s7 =	simm.s32 $0x0;
	s20 =	sshll.u32 s5, $0x1;
	s5 =	sadd.s32 s21, s3  }
0xa3: {  	[timem:s7], [sflag:s22] =	dma.local [hbm:s5], s20  }
0xa4: {  	_ =	swait.ge [sflag:s22], s20  }
0xa5: {  	s4 =	ssub.s32 $0x0, s20;
	[sflag:s22] =	ssyncset.done $0x0  }
0xa6: {  	[sflag:s22] =	ssyncadd.s32 s4;
	_ =	sdelay $0x1  }
0xa7: {  	s23 =	simm.s32 $0x1B8B  }
0xa8: {  	_ =	swait.ge [sflag:s23], $0x1  }
0xa9: {  	[sflag:s23] =	ssyncset.done $0x0  }
0xaa: {  	s25 =	simm.s32 $0x1B8E;
	s24 =	sld [smem:$0x3FFE];
	[sflag:s23] =	ssyncadd.s32 $0xFFFFFFFF  }
0xab: {  	s26 =	simm.s32 $execute0_lowered;
	[smem:$0x3FD2] =	sst s25  }
0xac: {  	s5 =	sshll.u32 s26, $0x1;
	_ =	strace $0x80000046;
	[dreg:$0x1] =	wrdreg $0xFFFFFFFF  }
0xad: {  	s28 =	simm.s32 $_size_execute0_lowered;
	s3 =	sadd.s32 s3, s5;
	[dreg:$0x0] =	wrdreg $0x0  }
0xae: {  	s5 =	sshll.u32 s28, $0x1;
	[dreg:$0x2] =	wrdreg s3  }
0xaf: {  	[dreg:$0x3] =	wrdreg s5  }
0xb0: {  	[dreg:$0x4] =	wrdreg $0xC0  }
0xb1: {  	_ =	task [dreg:s7], $0x5FFFF  }
0xb2: {  	[dreg:$0x1] =	wrdreg $0xFFFFFFFF  }
0xb3: {  	[dreg:$0x0] =	wrdreg $0x60  }
0xb4: {  	[dreg:$0x2] =	wrdreg s24  }
0xb5: {  	[dreg:$0x3] =	wrdreg s16  }
0xb6: {  	[dreg:$0x4] =	wrdreg $0xC2800  }
0xb7: {  	[dreg:$0x5] =	wrdreg $0x9  }
0xb8: {  	_ =	task.clear_ibuf [dreg:s7], $0x6FFFF;
	_ =	strace $0x90000046  }
0xb9: {  	s29 =	simm.s32 $0x9;
	_ =	strace $0x80000048  }
0xba: {  	_ =	swait.ge [sflag:s29], $0x1  }
0xbb: {  	[sflag:s29] =	ssyncadd.s32 $0xFFFFFFFF  }
0xbc: {  	_ =	strace $0x90000048  }
0xbd: {  	_ =	sfence  }
0xbe: {  	s30 =	sld [smem:$0x0];
	_ =	sdelay $0x2  }
0xbf: {  	s31 =	sshll.u32 s1, $0xD;
	s1 =	sshrl.u32 s1, $0x2  }
0xc0: {  	s3 =	sand.u32 $0x4000, s31;
	s1 =	sadd.s32 s1, s30  }
0xc1: {  	s0 =	sor.u32 s3, s0;
	s1 =	sshll.u32 s1, $0x11  }
0xc2: {  	s0 =	sor.u32 s1, s0  }
0xc3: {  	s0 =	sadd.s32 $0x8F2B, s0  }
0xc4: {  	[sflag:s0] =	ssyncadd.remote.s32 $0x1  }
0xc5: {  	_ =	sfence.sel $0xFFFF  }
0xc6: {  	[dreg:$0x0] =	wrdreg $0xFFFFFFFF;
	(pc) =	sbr.abs _section_cstart, $3  }
0xc7: {  	[dreg:$0x1] =	wrdreg $0xFFFFFFFF  }
0xc8: {  	_ =	task.clear_ibuf [dreg:s7], $0x2FFFF;
	_ =	strace $0x9FFFFFFF  }
0xc9: {  	(tm) =	ssettm $0x7FFFFFFF  }
tec
execute0_lowered:
.L_overlay_start_1:
0x0: {  	(tag) =	ssettag $0x1  }
0x1: {  	s0 =	rddreg [dreg:$0x0]  }
0x2: {  	s1 =	rddreg [dreg:$0x1]  }
0x3: {  	s2 =	rddreg [dreg:$0x2];
	s3 =	simm.s32 $0x0  }
0x4: {  	s4 =	srdreg.scid;
	s20 =	simm.s32 $0x100;
	s21 =	simm.s32 $0x280  }
0x5: {  	s22 =	simm.s32 $0x4280;
	s23 =	simm.s32 $0x180;
	s9 =	sand.u32 $0x1, s4  }
0x6: {  	s25 =	simm.s32 $0x1;
	s4 =	stileid.u32;
	s24 =	smul.u32 $0x2710, s9  }
0x7: {  	[smem:$0x7FF] =	sst s3;
	s5 =	sadd.s32 $0x2800, s0;
	s8 =	smul.u32 $0x4E000, s4  }
0x8: {  	s6 =	sadd.s32 $0xECE00, s0;
	s7 =	sadd.s32 $0x50A00, s0;
	s11 =	smul.u32 $0x270, s4  }
0x9: {  	s12 =	sadd.s32 $0x9EC00, s0;
	s0 =	sadd.s32 $0x13B000, s0;
	s29 =	smul.u32 $0x138800, s9  }
0xa: {  	s18 =	sadd.s32 $0x138000, s2;
	_ =	strace $0x80000047;
	s14 =	smul.u32 $0x9C4, s9  }
0xb: {  	s10 =	ssub.s32 $0x2, s9;
	s30 =	sshll.u32 s4, $0x6;
	s31 =	smul.u32 $0x9C, s4  }
0xc: {  	p0 =	slt.u32 s4, $0x4;
	s19 =	smin.u32 s4, $0x4;
	s13 =	sshrl.u32 s10, $0x1  }
0xd: {  	s9 =	sor.u32 $0x1C02, s30;
	s15 =	ssub.s32 s10, s13;
	s8 =	sshrl.u32 s8, $0x2  }
0xe: {  	s26 =	sadd.s32 s11, s24;
	s10 =	sshrl.u32 s29, $0x3;
	s14 =	sadd.s32 s31, s14  }
0xf: {  	v0 =	vmov s24;
	s24 =	simm.s32 $0x8280;
	s16 =	sadd.s32 s8, s2;
	s28 =	sshll.u32 s26, $0x4  }
0x10: {  	s17 =	sadd.s32 $0x27000, s10;
	s10 =	simm.s32 $0x9D;
	s15 =	smax.u32 s15, $0x1  }
0x11: {  	s26 =	simm.s32 $0x200;
	s8 =	sadd.s32 s12, s28;
	s11 =	sadd.s32 s12, s17  }
0x12: {  	s10 =	simm.s32 @!p0 $0x9C;
	s12 =	sadd.s32 s19, s14;
	s13 =	sadd.s32 s0, s28  }
0x13: {  	s14 =	sadd.s32 s0, s17;
	p0 =	sne.s32 s4, $0xF;
	s16 =	sshrl.u32 s16, $0x3  }
0x14: {  	s17 =	simm.s32 $0x2;
	s19 =	simm.s32 $0x80;
	s18 =	sshrl.u32 @!p0 s18, $0x3  }
.LBB2_1:
0x15: {  	[spmem:s16], [sflag:s9] =	dma.local [hbm:s8], $0x2700  }
0x16: {  	_ =	swait.ge [sflag:s17], $0x2700  }
0x17: {  	[sflag:s17] =	ssyncset.done $0x0  }
0x18: {  	s0 =	simm.s32 @!p0 $0x2;
	[sflag:s17] =	ssyncadd.s32 $0xFFFFD900  }
0x19: {  	[spmem:s18], [sflag:s9] =	dma.local @!p0 [hbm:s11], $0x100  }
0x1a: {  	_ =	swait.ge @!p0 [sflag:s0], $0x100  }
0x1b: {  	[sflag:s0] =	ssyncset.done @!p0 $0x0  }
0x1c: {  	[sflag:s0] =	ssyncadd.s32 @!p0 $0xFFFFFF00  }
0x1d: {  	s28 =	simm.s32 $0x0;
	[bflag:$0x0] =	sbarrier.arrive $0xFFFF  }
.LBB2_2:
0x1e: {  	s0 =	sadd.s32 s28, s12  }
0x1f: {  	s0 =	sshll.u32 s0, $0x5  }
0x20: {  	s0 =	sand.u32 $0x1FFFFFE0, s0  }
0x21: {  	s29 =	simm.s32 $0x0;
	s0 =	sadd.s32 s1, s0  }
0x22: {  	[tilespmem:s29], [sflag:$0x2] =	stream.linear.gather [hbm4b:s0+s29], $0x100, $0x38;
	[tilespmem:$0x1FB00] =	vst v63  }
0x23: {  	_ =	swait.ge [sflag:s17], $0x100  }
0x24: {  	[sflag:s17] =	ssyncset.done $0x0  }
0x25: {  	[sflag:s17] =	ssyncadd.s32 $0xFFFFFF00  }
0x26: {  	v1 =	vld [tilespmem:$0x0]  }
0x27: {  	v2 =	vld [tilespmem:$0x80]  }
0x28: {  	v4 =	vld [tilespmem:$0x90];
	_ =	sdelay $0x1  }
0x29: {  	v3 =	vld [tilespmem:$0x10];
	_ =	sdelay $0x1  }
0x2a: {  	[tilespmem:$0x200] =	vst v2  }
0x2b: {  	v1 =	vadd.s32 v0, v1;
	[tilespmem:$0x210] =	vst v4  }
0x2c: {  	v2 =	vadd.s32 v0, v2;
	[tilespmem:$0x100] =	vst v1;
	v1 =	vld [tilespmem:$0x20]  }
0x2d: {  	v4 =	vadd.s32 v0, v4;
	[tilespmem:$0x180] =	vst v2;
	v2 =	vadd.s32 v0, v3;
	v3 =	vld [tilespmem:$0xA0]  }
0x2e: {  	[tilespmem:$0x190] =	vst v4;
	v4 =	vld [tilespmem:$0xB0];
	_ =	sdelay $0x2  }
0x2f: {  	[tilespmem:$0x110] =	vst v2  }
0x30: {  	[tilespmem:$0x220] =	vst v3  }
0x31: {  	v2 =	vld [tilespmem:$0x30];
	v1 =	vadd.s32 v0, v1;
	[tilespmem:$0x230] =	vst v4  }
0x32: {  	v3 =	vadd.s32 v0, v3;
	[tilespmem:$0x120] =	vst v1;
	v1 =	vld [tilespmem:$0x40]  }
0x33: {  	v4 =	vadd.s32 v0, v4;
	[tilespmem:$0x1A0] =	vst v3;
	v3 =	vld [tilespmem:$0xC0]  }
0x34: {  	[tilespmem:$0x1B0] =	vst v4;
	v4 =	vld [tilespmem:$0xD0];
	_ =	sdelay $0x1  }
0x35: {  	v2 =	vadd.s32 v0, v2  }
0x36: {  	[tilespmem:$0x130] =	vst v2  }
0x37: {  	v2 =	vld [tilespmem:$0x50];
	[tilespmem:$0x240] =	vst v3  }
0x38: {  	v1 =	vadd.s32 v0, v1;
	[tilespmem:$0x250] =	vst v4  }
0x39: {  	v3 =	vadd.s32 v0, v3;
	[tilespmem:$0x140] =	vst v1;
	v1 =	vld [tilespmem:$0x60]  }
0x3a: {  	v4 =	vadd.s32 v0, v4;
	[tilespmem:$0x1C0] =	vst v3;
	v3 =	vld [tilespmem:$0xE0]  }
0x3b: {  	[tilespmem:$0x1D0] =	vst v4;
	v4 =	vld [tilespmem:$0xF0]  }
0x3c: {  	v2 =	vadd.s32 v0, v2  }
0x3d: {  	[tilespmem:$0x150] =	vst v2;
	v2 =	vld [tilespmem:$0x70];
	_ =	sdelay $0x1  }
0x3e: {  	[tilespmem:$0x260] =	vst v3  }
0x3f: {  	v1 =	vadd.s32 v0, v1;
	[tilespmem:$0x270] =	vst v4  }
0x40: {  	[tilespmem:$0x160] =	vst v1;
	v1 =	vadd.s32 v0, v3  }
0x41: {  	[tilespmem:$0x1E0] =	vst v1;
	v1 =	vadd.s32 v0, v2  }
0x42: {  	[tilespmem:$0x170] =	vst v1;
	v1 =	vadd.s32 v0, v4  }
0x43: {  	[tilespmem:$0x1F0] =	vst v1  }
0x44: {  	[tilespmem:s21], [sflag:$0x1] =	stream.indirect.gather [hbm4b:s5+s19], $0x80, s20, s19, $0xb8;
	[tilespmem:$0x1FB00] =	vst v63  }
0x45: {  	_ = 	snop  }
0x46: {  	[tilespmem:s22], [sflag:$0x1] =	stream.indirect.gather [hbm4b:s6+s19], $0x80, s20, s19, $0xb8;
	[tilespmem:$0x1FB00] =	vst v63  }
0x47: {  	_ = 	snop  }
0x48: {  	[tilespmem:s24], [sflag:$0x1] =	stream.indirect.gather [hbm4b:s7+s19], $0x80, s23, s19, $0xb8;
	[tilespmem:$0x1FB00] =	vst v63  }
0x49: {  	_ =	swait.ge [sflag:s25], $0x4000  }
0x4a: {  	[sflag:s25] =	ssyncset.done $0x0  }
0x4b: {  	[sflag:s25] =	ssyncadd.s32 $0xFFFFC000  }
0x4c: {  	_ =	swait.ge [sflag:s25], $0x4000  }
0x4d: {  	[sflag:s25] =	ssyncset.done $0x0  }
0x4e: {  	[sflag:s25] =	ssyncadd.s32 $0xFFFFC000  }
0x4f: {  	_ =	swait.ge [sflag:s25], $0x4000  }
0x50: {  	[sflag:s25] =	ssyncset.done $0x0  }
0x51: {  	s29 =	simm.s32 $0x0;
	[sflag:s25] =	ssyncadd.s32 $0xFFFFC000  }
0x52: {  	v1 =	vld [tilespmem:s29+$0x82D0]  }
0x53: {  	v2 =	vld [tilespmem:s29+$0x2D0]  }
0x54: {  	v3 =	vld [tilespmem:s29+$0x82C0]  }
0x55: {  	v4 =	vld [tilespmem:s29+$0x82B0]  }
0x56: {  	v6 =	vld [tilespmem:s29+$0x8290]  }
0x57: {  	v7 =	vld [tilespmem:s29+$0x2B0]  }
0x58: {  	v8 =	vld [tilespmem:s29+$0x290];
	v1 =	vadd.f32 v1, v2  }
0x59: {  	v2 =	vld [tilespmem:s29+$0x2C0]  }
0x5a: {  	v9 =	vld [tilespmem:s29+$0x82F0];
	v1 =	vsub.f32 $0.0e+00, v1  }
0x5b: {  	v10 =	vld [tilespmem:s29+$0x2F0]  }
0x5c: {  	v5 =	vld [tilespmem:s29+$0x82A0];
	v1 =	vmul.f32 $1.442695020e+00, v1  }
0x5d: {  	v11 =	vld [tilespmem:s29+$0x2A0]  }
0x5e: {  	(erf) = vpow2.f32 v1;
	v1 =	vadd.f32 v3, v2  }
0x5f: {  	v2 =	vadd.f32 v4, v7;
	v4 =	vadd.f32 v6, v8  }
0x60: {  	v3 =	vld [tilespmem:s29+$0x82E0];
	v7 =	vadd.f32 v9, v10;
	v1 =	vsub.f32 $0.0e+00, v1  }
0x61: {  	v6 =	vld [tilespmem:s29+$0x2E0];
	v2 =	vsub.f32 $0.0e+00, v2;
	v4 =	vsub.f32 $0.0e+00, v4  }
0x62: {  	v5 =	vadd.f32 v5, v11;
	v8 =	vld [tilespmem:s29+$0x8280];
	v1 =	vmul.f32 $1.442695020e+00, v1  }
0x63: {  	v9 =	vld [tilespmem:s29+$0x280];
	v7 =	vsub.f32 $0.0e+00, v7;
	v2 =	vmul.f32 $1.442695020e+00, v2;
	v4 =	vmul.f32 $1.442695020e+00, v4  }
0x64: {  	(erf) = vpow2.f32 v1;
	v1 =	vsub.f32 $0.0e+00, v5  }
0x65: {  	(erf) = vpow2.f32 v2;
	v2 =	vmul.f32 $1.442695020e+00, v7  }
0x66: {  	v3 =	vadd.f32 v3, v6;
	(erf) = vpow2.f32 v4;
	v1 =	vmul.f32 $1.442695020e+00, v1  }
0x67: {  	v4 =	vpop (erf);
	(erf) = vpow2.f32 v2  }
0x68: {  	v3 =	vsub.f32 $0.0e+00, v3;
	(erf) = vpow2.f32 v1;
	v1 =	vadd.f32 v8, v9  }
0x69: {  	v4 =	vadd.f32 $1.000000000e+00, v4  }
0x6a: {  	v2 =	vmul.f32 $1.442695020e+00, v3;
	v1 =	vsub.f32 $0.0e+00, v1  }
0x6b: {  	(erf) = vrcp.f32 v4  }
0x6c: {  	(erf) = vpow2.f32 v2;
	v1 =	vmul.f32 $1.442695020e+00, v1;
	_ =	sdelay $0x1  }
0x6d: {  	(erf) = vpow2.f32 v1  }
0x6e: {  	v5 =	vld [tilespmem:s29+$0x42D0];
	v3 =	vpop (erf)  }
0x6f: {  	v2 =	vld [tilespmem:s29+$0x42C0];
	v3 =	vadd.f32 $1.000000000e+00, v3;
	v4 =	vpop (erf)  }
0x70: {  	v1 =	vld [tilespmem:s29+$0x4280];
	v4 =	vadd.f32 $1.000000000e+00, v4;
	v6 =	vpop (erf)  }
0x71: {  	v6 =	vadd.f32 $1.000000000e+00, v6;
	(erf) = vrcp.f32 v3;
	v3 =	vld [tilespmem:s29+$0x42E0];
	v7 =	vpop (erf)  }
0x72: {  	(erf) = vrcp.f32 v4;
	v4 =	vld [tilespmem:s29+$0x42A0];
	v10 =	vadd.f32 $1.000000000e+00, v7;
	v7 =	vpop (erf)  }
0x73: {  	(erf) = vrcp.f32 v6;
	v6 =	vld [tilespmem:s29+$0x4290];
	v8 =	vpop (erf)  }
0x74: {  	s31 =	simm.s32 $0x200;
	s30 =	simm.s32 $0x400;
	v7 =	vadd.f32 $1.000000000e+00, v7;
	(erf) = vrcp.f32 v10;
	v8 =	vmul.f32 v8, v5;
	v5 =	vld [tilespmem:s29+$0x42F0];
	v9 =	vpop (erf)  }
.LBB2_3:
0x75: {  	p1 =	sne.s32 s30, $0xFE00  }
0x76: {  	s0 =	sshra.s32 s31, $0x2;
	v10 =	vld [tilespmem:s29+$0x42B0];
	v9 =	vadd.f32 $1.000000000e+00, v9;
	v11 =	vpop (erf);
	(erf) = vrcp.f32 v7;
	s31 =	smov.u32 s30;
	s30 =	sadd.s32 $0x200, s30  }
0x77: {  	v7 =	vld [tilespmem:s0+$0x82D0];
	v11 =	vadd.f32 $1.000000000e+00, v11;
	[tilespmem:s29+$0x2D0] =	vst v8  }
0x78: {  	v8 =	vld [tilespmem:s0+$0x2D0];
	(erf) = vrcp.f32 v9  }
0x79: {  	v9 =	vld [tilespmem:s0+$0x82C0];
	(erf) = vrcp.f32 v11  }
0x7a: {  	v11 =	vld [tilespmem:s0+$0x8280];
	v12 =	vpop (erf)  }
0x7b: {  	v13 =	vld [tilespmem:s0+$0x82B0];
	v2 =	vmul.f32 v12, v2;
	v12 =	vpop (erf)  }
0x7c: {  	v14 =	vld [tilespmem:s0+$0x82A0];
	v10 =	vmul.f32 v12, v10;
	v12 =	vpop (erf)  }
0x7d: {  	v15 =	vld [tilespmem:s0+$0x8290];
	v7 =	vadd.f32 v7, v8;
	v12 =	vmul.f32 v12, v6;
	[tilespmem:s29+$0x2C0] =	vst v2  }
0x7e: {  	v2 =	vld [tilespmem:s0+$0x2C0];
	[tilespmem:s29+$0x2B0] =	vst v10;
	v8 =	vpop (erf)  }
0x7f: {  	v10 =	vld [tilespmem:s0+$0x2B0];
	v7 =	vsub.f32 $0.0e+00, v7;
	[tilespmem:s29+$0x290] =	vst v12;
	v12 =	vmul.f32 v8, v5;
	v6 =	vpop (erf)  }
0x80: {  	v8 =	vld [tilespmem:s0+$0x290];
	v16 =	vmul.f32 v6, v4  }
0x81: {  	v6 =	vmul.f32 $1.442695020e+00, v7;
	v7 =	vld [tilespmem:s0+$0x82F0];
	[tilespmem:s29+$0x2F0] =	vst v12;
	v5 =	vpop (erf)  }
0x82: {  	v12 =	vld [tilespmem:s0+$0x2F0];
	[tilespmem:s29+$0x2A0] =	vst v16;
	v3 =	vmul.f32 v5, v3;
	v4 =	vpop (erf)  }
0x83: {  	v5 =	vld [tilespmem:s0+$0x2A0];
	v2 =	vadd.f32 v9, v2;
	(erf) = vpow2.f32 v6;
	v1 =	vmul.f32 v4, v1  }
0x84: {  	v4 =	vadd.f32 v13, v10;
	v6 =	vld [tilespmem:s0+$0x82E0];
	[tilespmem:s29+$0x2E0] =	vst v3  }
0x85: {  	v3 =	vadd.f32 v15, v8;
	v8 =	vsub.f32 $0.0e+00, v2;
	v9 =	vld [tilespmem:s0+$0x2E0];
	[tilespmem:s29+$0x280] =	vst v1;
	s29 =	smov.u32 s0  }
0x86: {  	v1 =	vld [tilespmem:s29+$0x280];
	v4 =	vsub.f32 $0.0e+00, v4  }
0x87: {  	v3 =	vsub.f32 $0.0e+00, v3;
	v2 =	vld [tilespmem:s29+$0x42C0];
	v8 =	vmul.f32 $1.442695020e+00, v8;
	v7 =	vadd.f32 v7, v12  }
0x88: {  	v5 =	vadd.f32 v14, v5;
	v4 =	vmul.f32 $1.442695020e+00, v4  }
0x89: {  	v3 =	vmul.f32 $1.442695020e+00, v3;
	v7 =	vsub.f32 $0.0e+00, v7;
	(erf) = vpow2.f32 v8  }
0x8a: {  	v5 =	vsub.f32 $0.0e+00, v5;
	v8 =	vadd.f32 v6, v9;
	(erf) = vpow2.f32 v4  }
0x8b: {  	v1 =	vadd.f32 v11, v1;
	v4 =	vmul.f32 $1.442695020e+00, v7;
	(erf) = vpow2.f32 v3  }
0x8c: {  	v3 =	vmul.f32 $1.442695020e+00, v5;
	v5 =	vsub.f32 $0.0e+00, v8;
	v6 =	vpop (erf)  }
0x8d: {  	v1 =	vsub.f32 $0.0e+00, v1;
	v6 =	vadd.f32 $1.000000000e+00, v6;
	(erf) = vpow2.f32 v4  }
0x8e: {  	v4 =	vmul.f32 $1.442695020e+00, v5;
	(erf) = vpow2.f32 v3  }
0x8f: {  	v3 =	vmul.f32 $1.442695020e+00, v1;
	(erf) = vrcp.f32 v6  }
0x90: {  	(erf) = vpow2.f32 v4  }
0x91: {  	(erf) = vpow2.f32 v3  }
0x92: {  	v1 =	vpop (erf)  }
0x93: {  	v3 =	vadd.f32 $1.000000000e+00, v1;
	v1 =	vpop (erf)  }
0x94: {  	v4 =	vadd.f32 $1.000000000e+00, v1;
	v5 =	vld [tilespmem:s29+$0x42D0];
	v6 =	vpop (erf)  }
.Ltmp0:
0x95: {  	v1 =	vld [tilespmem:s29+$0x4280];
	v6 =	vadd.f32 $1.000000000e+00, v6;
	(erf) = vrcp.f32 v3;
	(pc) =	sbr.rel @p1 .LBB2_3-.Ltmp0, $4  }
0x96: {  	v3 =	vld [tilespmem:s29+$0x42E0];
	(erf) = vrcp.f32 v4;
	v7 =	vpop (erf)  }
0x97: {  	v4 =	vld [tilespmem:s29+$0x42A0];
	v10 =	vadd.f32 $1.000000000e+00, v7;
	(erf) = vrcp.f32 v6;
	v7 =	vpop (erf)  }
0x98: {  	v6 =	vld [tilespmem:s29+$0x4290];
	v7 =	vadd.f32 $1.000000000e+00, v7;
	v8 =	vpop (erf)  }
0x99: {  	v8 =	vmul.f32 v8, v5;
	v5 =	vld [tilespmem:s29+$0x42F0];
	v9 =	vpop (erf);
	(erf) = vrcp.f32 v10  }
0x9a: {  	_ =	sdelay $0x1  }
0x9b: {  	s30 =	sshra.s32 s31, $0x2;
	v10 =	vld [tilespmem:s29+$0x42B0]  }
0x9c: {  	v13 =	vpop (erf);
	v11 =	vld [tilespmem:s30+$0x82D0];
	[tilespmem:s29+$0x2D0] =	vst v8  }
0x9d: {  	(erf) = vrcp.f32 v7;
	v9 =	vadd.f32 $1.000000000e+00, v9;
	v8 =	vld [tilespmem:s30+$0x2D0];
	v38 =	vpop (erf)  }
0x9e: {  	v40 =	vadd.f32 $1.000000000e+00, v13;
	v12 =	vld [tilespmem:s30+$0x82C0];
	v2 =	vmul.f32 v38, v2  }
0x9f: {  	v14 =	vld [tilespmem:s30+$0x8280];
	(erf) = vrcp.f32 v9  }
0xa0: {  	v15 =	vld [tilespmem:s30+$0x82B0];
	(erf) = vrcp.f32 v40  }
0xa1: {  	v39 =	vld [tilespmem:s30+$0x82A0];
	v16 =	vpop (erf)  }
0xa2: {  	v17 =	vld [tilespmem:s30+$0x8290];
	v10 =	vmul.f32 v16, v10;
	[tilespmem:s29+$0x2C0] =	vst v2;
	v2 =	vpop (erf)  }
0xa3: {  	v2 =	vmul.f32 v2, v6  }
0xa4: {  	v41 =	vld [tilespmem:s30+$0x2C0];
	[tilespmem:s29+$0x2B0] =	vst v10;
	v43 =	vpop (erf)  }
0xa5: {  	v8 =	vadd.f32 v11, v8;
	v42 =	vld [tilespmem:s30+$0x2B0];
	[tilespmem:s29+$0x290] =	vst v2;
	v2 =	vmul.f32 v43, v5  }
0xa6: {  	v45 =	vpop (erf);
	v44 =	vld [tilespmem:s30+$0x290]  }
0xa7: {  	v4 =	vmul.f32 v45, v4;
	v10 =	vld [tilespmem:s30+$0x82F0];
	[tilespmem:s29+$0x2F0] =	vst v2;
	v2 =	vsub.f32 $0.0e+00, v8  }
0xa8: {  	v47 =	vpop (erf)  }
0xa9: {  	v3 =	vmul.f32 v47, v3;
	v48 =	vpop (erf);
	v46 =	vld [tilespmem:s30+$0x2F0];
	[tilespmem:s29+$0x2A0] =	vst v4;
	v2 =	vmul.f32 $1.442695020e+00, v2  }
0xaa: {  	v1 =	vmul.f32 v48, v1;
	v4 =	vld [tilespmem:s30+$0x2A0]  }
0xab: {  	v49 =	vld [tilespmem:s30+$0x82E0];
	[tilespmem:s29+$0x2E0] =	vst v3;
	(erf) = vpow2.f32 v2;
	v2 =	vadd.f32 v12, v41  }
0xac: {  	v3 =	vadd.f32 v15, v42;
	v50 =	vld [tilespmem:s30+$0x2E0];
	[tilespmem:s29+$0x280] =	vst v1;
	v5 =	vadd.f32 v17, v44  }
0xad: {  	v1 =	vsub.f32 $0.0e+00, v2;
	v2 =	vld [tilespmem:s30+$0x280]  }
0xae: {  	v3 =	vsub.f32 $0.0e+00, v3;
	v5 =	vsub.f32 $0.0e+00, v5  }
0xaf: {  	v8 =	vadd.f32 v10, v46;
	v1 =	vmul.f32 $1.442695020e+00, v1  }
0xb0: {  	v3 =	vmul.f32 $1.442695020e+00, v3;
	v4 =	vadd.f32 v39, v4;
	v5 =	vmul.f32 $1.442695020e+00, v5  }
0xb1: {  	v51 =	vsub.f32 $0.0e+00, v8;
	v52 =	vadd.f32 v49, v50;
	(erf) = vpow2.f32 v1  }
0xb2: {  	v1 =	vsub.f32 $0.0e+00, v4;
	(erf) = vpow2.f32 v3;
	v2 =	vadd.f32 v14, v2  }
0xb3: {  	v4 =	vsub.f32 $0.0e+00, v52;
	v3 =	vmul.f32 $1.442695020e+00, v51;
	(erf) = vpow2.f32 v5  }
0xb4: {  	v1 =	vmul.f32 $1.442695020e+00, v1;
	v53 =	vpop (erf);
	v2 =	vsub.f32 $0.0e+00, v2  }
0xb5: {  	(erf) = vpow2.f32 v3;
	v3 =	vmul.f32 $1.442695020e+00, v4;
	v5 =	vadd.f32 $1.000000000e+00, v53  }
0xb6: {  	(erf) = vpow2.f32 v1;
	v1 =	vmul.f32 $1.442695020e+00, v2  }
0xb7: {  	(erf) = vrcp.f32 v5  }
0xb8: {  	(erf) = vpow2.f32 v3  }
0xb9: {  	(erf) = vpow2.f32 v1  }
0xba: {  	v1 =	vpop (erf)  }
0xbb: {  	v2 =	vpop (erf);
	v1 =	vadd.f32 $1.000000000e+00, v1  }
0xbc: {  	v3 =	vpop (erf)  }
0xbd: {  	v3 =	vadd.f32 $1.000000000e+00, v3  }
0xbe: {  	v2 =	vadd.f32 $1.000000000e+00, v2;
	v54 =	vpop (erf);
	(erf) = vrcp.f32 v1  }
0xbf: {  	v1 =	vpop (erf)  }
0xc0: {  	(erf) = vrcp.f32 v2;
	v2 =	vadd.f32 $1.000000000e+00, v54;
	v55 =	vpop (erf)  }
0xc1: {  	(erf) = vrcp.f32 v3;
	v1 =	vadd.f32 $1.000000000e+00, v1;
	v3 =	vpop (erf)  }
0xc2: {  	(erf) = vrcp.f32 v2;
	v2 =	vadd.f32 $1.000000000e+00, v3;
	v3 =	vpop (erf)  }
0xc3: {  	(erf) = vrcp.f32 v1;
	v1 =	vadd.f32 $1.000000000e+00, v3;
	v3 =	vld [tilespmem:s30+$0x42C0]  }
0xc4: {  	v56 =	vld [tilespmem:s30+$0x42D0]  }
0xc5: {  	(erf) = vrcp.f32 v2  }
0xc6: {  	v2 =	vld [tilespmem:s30+$0x42B0];
	(erf) = vrcp.f32 v1  }
0xc7: {  	v1 =	vld [tilespmem:s30+$0x4290];
	v59 =	vpop (erf)  }
0xc8: {  	v57 =	vld [tilespmem:s30+$0x42F0];
	v3 =	vmul.f32 v59, v3  }
0xc9: {  	v58 =	vld [tilespmem:s30+$0x42A0];
	v4 =	vmul.f32 v55, v56  }
0xca: {  	v60 =	vld [tilespmem:s30+$0x42E0];
	v61 =	vpop (erf)  }
0xcb: {  	v62 =	vld [tilespmem:s30+$0x4280];
	[tilespmem:s30+$0x2D0] =	vst v4;
	v63 =	vpop (erf);
	v2 =	vmul.f32 v61, v2  }
0xcc: {  	v1 =	vmul.f32 v63, v1;
	[tilespmem:s30+$0x2C0] =	vst v3;
	v3 =	vpop (erf)  }
0xcd: {  	[tilespmem:s30+$0x2B0] =	vst v2;
	v2 =	vmul.f32 v3, v57;
	v3 =	vpop (erf)  }
0xce: {  	[tilespmem:s30+$0x290] =	vst v1;
	v1 =	vmul.f32 v3, v58;
	v3 =	vpop (erf)  }
0xcf: {  	[tilespmem:s30+$0x2F0] =	vst v2;
	v2 =	vmul.f32 v3, v60;
	v3 =	vpop (erf)  }
0xd0: {  	s28 =	sadd.s32 $0x1, s28;
	[tilespmem:s30+$0x2A0] =	vst v1;
	v1 =	vmul.f32 v3, v62  }
0xd1: {  	p1 =	sne.s32 s28, s10;
	[tilespmem:s30+$0x2E0] =	vst v2  }
.Ltmp1:
0xd2: {  	[tilespmem:s30+$0x280] =	vst v1;
	(pc) =	sbr.rel @p1 .LBB2_2-.Ltmp1, $4  }
0xd3: {  	[spmem:s2] =	stream.indirect.scatter.add.f32 [tilespmem:s21], [sflag:$0x2], $0x80, s26, s19, $0xb8;
	[tilespmem:$0x1FB00] =	vst v63  }
0xd4: {  	_ =	swait.ge [sflag:s17], $0x4000  }
0xd5: {  	[sflag:s17] =	ssyncset.done $0x0  }
0xd6: {  	[sflag:s17] =	ssyncadd.s32 $0xFFFFC000  }
0xd7: {  	[bflag:$0x0] =	sbarrier.arrive $0xFFFF  }
0xd8: {  	[hbm:s13], [sflag:s9] =	dma.local [spmem:s16], $0x2700  }
0xd9: {  	s3 =	sadd.s32 $0x1, s3;
	_ =	swait.ge [sflag:s17], $0x2700  }
0xda: {  	p1 =	sne.s32 s3, s15;
	[sflag:s17] =	ssyncset.done $0x0  }
.Ltmp2:
0xdb: {  	s0 =	simm.s32 @!p0 $0x2;
	[sflag:s17] =	ssyncadd.s32 $0xFFFFD900;
	(pc) =	sbr.rel @p1 .LBB2_1-.Ltmp2, $4  }
0xdc: {  	[hbm:s14], [sflag:s9] =	dma.local @!p0 [spmem:s18], $0x100  }
0xdd: {  	_ =	swait.ge @!p0 [sflag:s0], $0x100  }
0xde: {  	[sflag:s0] =	ssyncset.done @!p0 $0x0  }
0xdf: {  	[sflag:s0] =	ssyncadd.s32 @!p0 $0xFFFFFF00  }
0xe0: {  	_ =	sfence.sel $0x180000  }
0xe1: {  	[bflag:$0x0] =	sbarrier.arrive $0xFFFF  }
0xe2: {  	_ =	strace $0x90000047  }
0xe3: {  	[bflag:$0x2] =	sbarrier.arrive $0xFFFF  }
0xe4: {  	p0 =	sne.s32 s4, $0x0;
	s0 =	rddreg [dreg:$0x3]  }
0xe5: {  	s0 =	sadd.s32 @!p0 $0x100000, s0  }
0xe6: {  	[sflag:s0] =	ssyncadd.tile.s32 @!p0 $0x1;
	_ =	shalt  }
.Lfunc_end2:
_tile_overlayer_lowered:
.L_overlay_start_2:
0xe7: {  	(tag) =	ssettag $0x2  }
0xe8: {  	s0 =	rddreg [dreg:$0x0];
	s2 =	stileid.u32  }
0xe9: {  	s1 =	rddreg [dreg:$0x1];
	p0 =	sne.s32 s2, $0x0  }
0xea: {  	s3 =	rddreg [dreg:$0x2];
	[bflag:$0x3] =	sbarrier.arrive $0xFFFF;
	s2 =	simm.s32 @!p0 $0x1C02  }
0xeb: {  	[timem:s3], [sflag:s2] =	dma.local @!p0 [hbm:s0], s1  }
0xec: {  	s0 =	simm.s32 @!p0 $0x2  }
0xed: {  	_ =	swait.ge @!p0 [sflag:s0], s1  }
0xee: {  	s1 =	ssub.s32 @!p0 $0x0, s1;
	[sflag:s0] =	ssyncset.done @!p0 $0x0  }
0xef: {  	[sflag:s0] =	ssyncadd.s32 @!p0 s1  }
0xf0: {  	[bflag:$0x3] =	sbarrier.arrive $0xFFFF  }
0xf1: {  	_ =	shalt  }

</sc_bundles>
